<compile_context>
chip_gen: v7x
topology: tpu7x:2x2x1
jax: 0.10.2.dev20260603
libtpu: 0.0.44.dev20260713+nightly
codegen_flags: <defaults>
</compile_context>

<pallas_src>
import functools

import jax
import jax.numpy as jnp
from jax import lax
from jax.experimental import pallas as pl
from jax.experimental.pallas import tpu as pltpu
from jax.experimental.pallas import tpu_sc as plsc

B = 16384
HIDDEN = 128
HALF = 64
W2V = 10
W2VPAD = 32
NPOS = 32
NC = 2
NS = 16
NW = NC * NS
CHUNK = B // NW
L = 16


def _fused_rows(pv_ref, ptab_ref, raw_ref, col0, w_ref, b_ref, out_ref):
    wvals = [[w_ref[k, L * j:L * (j + 1)] for j in range(HALF // L)]
             for k in range(W2V)]
    bvals = [b_ref[L * j:L * (j + 1)] for j in range(HALF // L)]
    iota = jnp.arange(L, dtype=jnp.int32)

    @plsc.parallel_loop(0, CHUNK, 1, unroll=2)
    def body(t):
        idx_t = jnp.full((L,), t, dtype=jnp.int32)
        p_t = plsc.load_gather(pv_ref, [idx_t])
        for j in range(HALF // L):
            out_ref[t, L * j:L * (j + 1)] = plsc.load_gather(
                ptab_ref, [p_t, iota + L * j])
        accs = list(bvals)
        for k in range(W2V):
            idx_k = jnp.full((L,), col0 + k, dtype=jnp.int32)
            rk = plsc.load_gather(raw_ref, [idx_t, idx_k])
            accs = [a + rk * wvals[k][j] for j, a in enumerate(accs)]
        for j in range(HALF // L):
            out_ref[t, HALF + L * j:HALF + L * (j + 1)] = accs[j]


@functools.partial(
    pl.kernel,
    out_type=(
        jax.ShapeDtypeStruct((B, HIDDEN), jnp.float32),
        jax.ShapeDtypeStruct((B, HIDDEN), jnp.float32),
    ),
    mesh=plsc.VectorSubcoreMesh(core_axis_name="c", subcore_axis_name="s",
                                num_cores=NC, num_subcores=NS),
    compiler_params=pltpu.CompilerParams(use_tc_tiling_on_sc=False,
                                         needs_layout_passes=False),
    scratch_types=[
        pltpu.VMEM((CHUNK,), jnp.int32),
        pltpu.VMEM((CHUNK,), jnp.int32),
        pltpu.VMEM((CHUNK,), jnp.int32),
        pltpu.VMEM((NPOS, HALF), jnp.float32),
        pltpu.VMEM((NPOS, HALF), jnp.float32),
        pltpu.VMEM((CHUNK, W2VPAD), jnp.float32),
        pltpu.VMEM((CHUNK, HIDDEN), jnp.float32),
        pltpu.VMEM((W2V, HALF), jnp.float32),
        pltpu.VMEM((W2V, HALF), jnp.float32),
        pltpu.VMEM((HALF,), jnp.float32),
        pltpu.VMEM((HALF,), jnp.float32),
        pltpu.SemaphoreType.DMA,
        pltpu.SemaphoreType.DMA,
        pltpu.SemaphoreType.DMA,
    ],
)
def _mixed_context_sc(x_hbm, pos_table_hbm, idx2ctx_hbm, pos_c_hbm,
                      pos_h_hbm, w2v_hbm, c_w_hbm, c_b_hbm,
                      h_w_hbm, h_b_hbm, out_c_hbm, out_h_hbm,
                      xv, pv, cv, ptabc, ptabh, rawv, outb,
                      wcv, whv, bcv, bhv, s0, s1, s2):
    wid = lax.axis_index("s") * NC + lax.axis_index("c")
    base = wid * CHUNK

    pltpu.sync_copy(x_hbm.at[pl.ds(base, CHUNK)], xv)
    hp = pltpu.async_copy(pos_table_hbm.at[xv], pv, s0)
    hc = pltpu.async_copy(idx2ctx_hbm.at[xv], cv, s1)

    h1 = pltpu.async_copy(pos_c_hbm, ptabc, s2)
    h2 = pltpu.async_copy(pos_h_hbm, ptabh, s2)
    h3 = pltpu.async_copy(c_w_hbm, wcv, s2)
    h4 = pltpu.async_copy(h_w_hbm, whv, s2)
    h5 = pltpu.async_copy(c_b_hbm, bcv, s2)
    h6 = pltpu.async_copy(h_b_hbm, bhv, s2)

    hc.wait()
    hr = pltpu.async_copy(w2v_hbm.at[cv], rawv, s1)
    hp.wait()
    h6.wait()
    h5.wait()
    h4.wait()
    h3.wait()
    h2.wait()
    h1.wait()
    hr.wait()

    _fused_rows(pv, ptabc, rawv, 0, wcv, bcv, outb)
    pltpu.sync_copy(outb, out_c_hbm.at[pl.ds(base, CHUNK)])
    _fused_rows(pv, ptabh, rawv, W2V, whv, bhv, outb)
    pltpu.sync_copy(outb, out_h_hbm.at[pl.ds(base, CHUNK)])


def kernel(x, pos_table, idx2context, pos_c_emb, pos_h_emb, w2v_c_emb,
           w2v_h_emb, c_lin_w, c_lin_b, h_lin_w, h_lin_b):
    w2v = jnp.concatenate(
        [w2v_c_emb, w2v_h_emb,
         jnp.zeros((w2v_c_emb.shape[0], W2VPAD - 2 * W2V), jnp.float32)],
        axis=1)
    out_c, out_h = _mixed_context_sc(
        x, pos_table, idx2context, pos_c_emb, pos_h_emb,
        w2v, c_lin_w, c_lin_b, h_lin_w, h_lin_b)
    return (out_c.reshape(1, B, HIDDEN), out_h.reshape(1, B, HIDDEN))

# --- scband reference (transcript-rebuilt; emitter-appended) ---
"""Pipeline reference for scband-mixed-context-55568286876360 (READ-ONLY COPY).

The authoritative reference and input builder live on the scoring server;
editing this copy changes nothing except your own understanding.
"""

import jax, jax.numpy as jnp
import numpy as np

B = 16384
VOCAB = 100000
NPOS = 32
NCTX = 100000
HIDDEN = 128
NLAYERS = 1
W2V = 10
HID_C = (HIDDEN + 1) // 2  # math.ceil(hidden_size/2) = 64
HID_W = HIDDEN // 2        # math.floor(hidden_size/2) = 64


def setup_inputs(seed: int = 0) -> dict:
    key = jax.random.key(seed)
    ks = jax.random.split(key, 11)
    x = jax.random.randint(ks[0], (B,), 0, VOCAB, dtype=jnp.int64 if jax.config.jax_enable_x64 else jnp.int32)
    # data_info.pos: maps word index -> POS tag index (frozen buffer)
    pos_table = jax.random.randint(ks[1], (VOCAB,), 0, NPOS, dtype=jnp.int32)
    # idx2context: maps word index -> word2vec context row (frozen buffer, all valid, no -1)
    idx2context = jax.random.randint(ks[2], (VOCAB,), 0, NCTX, dtype=jnp.int32)
    # POSContext embeddings: [NPOS, HID_C * NLAYERS]
    pos_c_emb = jax.random.normal(ks[3], (NPOS, HID_C * NLAYERS), dtype=jnp.float32)
    pos_h_emb = jax.random.normal(ks[4], (NPOS, HID_C * NLAYERS), dtype=jnp.float32)
    # Word2VecContext frozen PCA embeddings: [NCTX, W2V]
    w2v_c_emb = jax.random.normal(ks[5], (NCTX, W2V), dtype=jnp.float32)
    w2v_h_emb = jax.random.normal(ks[6], (NCTX, W2V), dtype=jnp.float32)
    # c_linear / h_linear: W2V -> HID_W * NLAYERS
    c_lin_w = jax.random.normal(ks[7], (W2V, HID_W * NLAYERS), dtype=jnp.float32) * (1.0 / np.sqrt(W2V))
    c_lin_b = jax.random.normal(ks[8], (HID_W * NLAYERS,), dtype=jnp.float32) * 0.01
    h_lin_w = jax.random.normal(ks[9], (W2V, HID_W * NLAYERS), dtype=jnp.float32) * (1.0 / np.sqrt(W2V))
    h_lin_b = jax.random.normal(ks[10], (HID_W * NLAYERS,), dtype=jnp.float32) * 0.01
    return {
        "x": x,
        "pos_table": pos_table,
        "idx2context": idx2context,
        "pos_c_emb": pos_c_emb,
        "pos_h_emb": pos_h_emb,
        "w2v_c_emb": w2v_c_emb,
        "w2v_h_emb": w2v_h_emb,
        "c_lin_w": c_lin_w,
        "c_lin_b": c_lin_b,
        "h_lin_w": h_lin_w,
        "h_lin_b": h_lin_b,
    }


def reference(x, pos_table, idx2context, pos_c_emb, pos_h_emb, w2v_c_emb, w2v_h_emb, c_lin_w, c_lin_b, h_lin_w, h_lin_b):
    # Dropout is identity in eval mode.
    bsz = x.shape[0]
    # --- POSContext._pos_forward ---
    p = jnp.take(pos_table, x, axis=0)
    pos_c = jnp.take(pos_c_emb, p, axis=0).reshape(bsz, NLAYERS, -1)
    pos_c = jnp.transpose(pos_c, (1, 0, 2))  # [nlayers, bsz, HID_C]
    pos_h = jnp.take(pos_h_emb, p, axis=0).reshape(bsz, NLAYERS, -1)
    pos_h = jnp.transpose(pos_h, (1, 0, 2))
    # --- Word2VecContext._w2v_forward ---
    c = jnp.take(idx2context, x, axis=0)
    wc = jnp.take(w2v_c_emb, c, axis=0)            # [bsz, W2V]
    wc = wc @ c_lin_w + c_lin_b                     # [bsz, HID_W*NLAYERS]
    wc = jnp.transpose(wc.reshape(bsz, NLAYERS, -1), (1, 0, 2))
    wh = jnp.take(w2v_h_emb, c, axis=0)
    wh = wh @ h_lin_w + h_lin_b
    wh = jnp.transpose(wh.reshape(bsz, NLAYERS, -1), (1, 0, 2))
    # --- MixedContext.forward ---
    x_c_embs = jnp.concatenate([pos_c, wc], axis=-1)  # [nlayers, bsz, HIDDEN]
    x_h_embs = jnp.concatenate([pos_h, wh], axis=-1)
    return (x_c_embs, x_h_embs)

if __name__ == "__main__":
    import jax
    _d = setup_inputs()
    print(jax.jit(kernel)(*tuple(_d.values())))

</pallas_src>

<mosaic_0001>
#map = affine_map<(d0, d1) -> (0)>
#map1 = affine_map<(d0, d1) -> (0, 0)>
module attributes {stable_mosaic.version = 14 : i64} {
  func.func @_mixed_context_sc(%arg0: i32, %arg1: i32, %arg2: memref<16384xi32, #tpu.memory_space<hbm>>, %arg3: memref<100000xi32, #tpu.memory_space<hbm>>, %arg4: memref<100000xi32, #tpu.memory_space<hbm>>, %arg5: memref<32x64xf32, #tpu.memory_space<hbm>>, %arg6: memref<32x64xf32, #tpu.memory_space<hbm>>, %arg7: memref<100000x32xf32, #tpu.memory_space<hbm>>, %arg8: memref<10x64xf32, #tpu.memory_space<hbm>>, %arg9: memref<64xf32, #tpu.memory_space<hbm>>, %arg10: memref<10x64xf32, #tpu.memory_space<hbm>>, %arg11: memref<64xf32, #tpu.memory_space<hbm>>, %arg12: memref<16384x128xf32, #tpu.memory_space<hbm>>, %arg13: memref<16384x128xf32, #tpu.memory_space<hbm>>, %arg14: memref<512xi32, #tpu.memory_space<vmem>>, %arg15: memref<512xi32, #tpu.memory_space<vmem>>, %arg16: memref<512xi32, #tpu.memory_space<vmem>>, %arg17: memref<32x64xf32, #tpu.memory_space<vmem>>, %arg18: memref<32x64xf32, #tpu.memory_space<vmem>>, %arg19: memref<512x32xf32, #tpu.memory_space<vmem>>, %arg20: memref<512x128xf32, #tpu.memory_space<vmem>>, %arg21: memref<10x64xf32, #tpu.memory_space<vmem>>, %arg22: memref<10x64xf32, #tpu.memory_space<vmem>>, %arg23: memref<64xf32, #tpu.memory_space<vmem>>, %arg24: memref<64xf32, #tpu.memory_space<vmem>>, %arg25: memref<!tpu.dma_semaphore, #tpu.memory_space<semaphore_mem>>, %arg26: memref<!tpu.dma_semaphore, #tpu.memory_space<semaphore_mem>>, %arg27: memref<!tpu.dma_semaphore, #tpu.memory_space<semaphore_mem>>) attributes {dimension_semantics = [#tpu.dimension_semantics<core_parallel>, #tpu.dimension_semantics<subcore_parallel>], iteration_bounds = array<i64: 2, 16>, scalar_prefetch = 0 : i64, scratch_operands = 14 : i64, tpu.core_type = #tpu.core_type<sc_vector_subcore>, window_params = [{transform_indices = #map}, {transform_indices = #map}, {transform_indices = #map}, {transform_indices = #map1}, {transform_indices = #map1}, {transform_indices = #map1}, {transform_indices = #map1}, {transform_indices = #map}, {transform_indices = #map1}, {transform_indices = #map}, {transform_indices = #map1}, {transform_indices = #map1}]} {
    %mul3A = arith.constant 2 : i32
    %mul3A_0 = arith.muli %arg1, %mul3A : i32
    %add3A = arith.addi %mul3A_0, %arg0 : i32
    %mul3A_1 = arith.constant 512 : i32
    %mul3A_2 = arith.muli %add3A, %mul3A_1 : i32
    "tpu.region"() ({
      %run_scoped3A = tpu.sem_alloc : memref<!tpu.dma_semaphore, #tpu.memory_space<semaphore_mem>>
      %dma_start3A_356 = tpu.memref_slice %arg2[%mul3A_2] : memref<16384xi32, #tpu.memory_space<hbm>> -> memref<512xi32, #tpu.memory_space<hbm>>
      %dma_start3A_357 = tpu.memref_slice %arg2[%mul3A_2] : memref<16384xi32, #tpu.memory_space<hbm>> -> memref<512xi32, #tpu.memory_space<hbm>>
      tpu.enqueue_dma source(%dma_start3A_357 : memref<512xi32, #tpu.memory_space<hbm>>) target(%arg14 : memref<512xi32, #tpu.memory_space<vmem>>) target_semaphore(%run_scoped3A : memref<!tpu.dma_semaphore, #tpu.memory_space<semaphore_mem>>)
      %dma_wait3A_358 = tpu.memref_slice %arg2[%mul3A_2] : memref<16384xi32, #tpu.memory_space<hbm>> -> memref<512xi32, #tpu.memory_space<hbm>>
      %dma_wait3A_359 = tpu.memref_slice %arg2[%mul3A_2] : memref<16384xi32, #tpu.memory_space<hbm>> -> memref<512xi32, #tpu.memory_space<hbm>>
      tpu.wait_dma2 semaphore(%run_scoped3A : memref<!tpu.dma_semaphore, #tpu.memory_space<semaphore_mem>>) src(%dma_wait3A_359 : memref<512xi32, #tpu.memory_space<hbm>>) dst(%arg14 : memref<512xi32, #tpu.memory_space<vmem>>)
      tpu.yield
    }) : () -> ()
    %dma_start3A = arith.constant 0 : i32
    %dma_start3A_3 = tpu.memref_slice %arg3[%dma_start3A] : memref<100000xi32, #tpu.memory_space<hbm>> -> memref<100000xi32, #tpu.memory_space<hbm>>
    tpu.enqueue_indirect_dma source(%dma_start3A_3 : memref<100000xi32, #tpu.memory_space<hbm>>) target(%arg15 : memref<512xi32, #tpu.memory_space<vmem>>) offsets(%arg14 : memref<512xi32, #tpu.memory_space<vmem>>) semaphore(%arg25 : memref<!tpu.dma_semaphore, #tpu.memory_space<semaphore_mem>>)
    %dma_start3A_4 = arith.constant 0 : i32
    %dma_start3A_5 = tpu.memref_slice %arg4[%dma_start3A_4] : memref<100000xi32, #tpu.memory_space<hbm>> -> memref<100000xi32, #tpu.memory_space<hbm>>
    tpu.enqueue_indirect_dma source(%dma_start3A_5 : memref<100000xi32, #tpu.memory_space<hbm>>) target(%arg16 : memref<512xi32, #tpu.memory_space<vmem>>) offsets(%arg14 : memref<512xi32, #tpu.memory_space<vmem>>) semaphore(%arg26 : memref<!tpu.dma_semaphore, #tpu.memory_space<semaphore_mem>>)
    tpu.enqueue_dma source(%arg5 : memref<32x64xf32, #tpu.memory_space<hbm>>) target(%arg17 : memref<32x64xf32, #tpu.memory_space<vmem>>) target_semaphore(%arg27 : memref<!tpu.dma_semaphore, #tpu.memory_space<semaphore_mem>>)
    tpu.enqueue_dma source(%arg6 : memref<32x64xf32, #tpu.memory_space<hbm>>) target(%arg18 : memref<32x64xf32, #tpu.memory_space<vmem>>) target_semaphore(%arg27 : memref<!tpu.dma_semaphore, #tpu.memory_space<semaphore_mem>>)
    tpu.enqueue_dma source(%arg8 : memref<10x64xf32, #tpu.memory_space<hbm>>) target(%arg21 : memref<10x64xf32, #tpu.memory_space<vmem>>) target_semaphore(%arg27 : memref<!tpu.dma_semaphore, #tpu.memory_space<semaphore_mem>>)
    tpu.enqueue_dma source(%arg10 : memref<10x64xf32, #tpu.memory_space<hbm>>) target(%arg22 : memref<10x64xf32, #tpu.memory_space<vmem>>) target_semaphore(%arg27 : memref<!tpu.dma_semaphore, #tpu.memory_space<semaphore_mem>>)
    tpu.enqueue_dma source(%arg9 : memref<64xf32, #tpu.memory_space<hbm>>) target(%arg23 : memref<64xf32, #tpu.memory_space<vmem>>) target_semaphore(%arg27 : memref<!tpu.dma_semaphore, #tpu.memory_space<semaphore_mem>>)
    tpu.enqueue_dma source(%arg11 : memref<64xf32, #tpu.memory_space<hbm>>) target(%arg24 : memref<64xf32, #tpu.memory_space<vmem>>) target_semaphore(%arg27 : memref<!tpu.dma_semaphore, #tpu.memory_space<semaphore_mem>>)
    %dma_wait3A = arith.constant 0 : i32
    %dma_wait3A_6 = tpu.memref_slice %arg4[%dma_wait3A] : memref<100000xi32, #tpu.memory_space<hbm>> -> memref<100000xi32, #tpu.memory_space<hbm>>
    tpu.wait_indirect_dma semaphore(%arg26 : memref<!tpu.dma_semaphore, #tpu.memory_space<semaphore_mem>>) src(%dma_wait3A_6 : memref<100000xi32, #tpu.memory_space<hbm>>) dst(%arg16 : memref<512xi32, #tpu.memory_space<vmem>>)
    %dma_start3A_7 = arith.constant 0 : i32
    %dma_start3A_8 = arith.constant 0 : i32
    %dma_start3A_9 = tpu.memref_slice %arg7[%dma_start3A_7, %dma_start3A_8] : memref<100000x32xf32, #tpu.memory_space<hbm>> -> memref<100000x32xf32, #tpu.memory_space<hbm>>
    tpu.enqueue_indirect_dma source(%dma_start3A_9 : memref<100000x32xf32, #tpu.memory_space<hbm>>) target(%arg19 : memref<512x32xf32, #tpu.memory_space<vmem>>) offsets(%arg16 : memref<512xi32, #tpu.memory_space<vmem>>) semaphore(%arg26 : memref<!tpu.dma_semaphore, #tpu.memory_space<semaphore_mem>>)
    %dma_wait3A_10 = arith.constant 0 : i32
    %dma_wait3A_11 = tpu.memref_slice %arg3[%dma_wait3A_10] : memref<100000xi32, #tpu.memory_space<hbm>> -> memref<100000xi32, #tpu.memory_space<hbm>>
    tpu.wait_indirect_dma semaphore(%arg25 : memref<!tpu.dma_semaphore, #tpu.memory_space<semaphore_mem>>) src(%dma_wait3A_11 : memref<100000xi32, #tpu.memory_space<hbm>>) dst(%arg15 : memref<512xi32, #tpu.memory_space<vmem>>)
    tpu.wait_dma2 semaphore(%arg27 : memref<!tpu.dma_semaphore, #tpu.memory_space<semaphore_mem>>) src(%arg11 : memref<64xf32, #tpu.memory_space<hbm>>) dst(%arg24 : memref<64xf32, #tpu.memory_space<vmem>>)
    tpu.wait_dma2 semaphore(%arg27 : memref<!tpu.dma_semaphore, #tpu.memory_space<semaphore_mem>>) src(%arg9 : memref<64xf32, #tpu.memory_space<hbm>>) dst(%arg23 : memref<64xf32, #tpu.memory_space<vmem>>)
    tpu.wait_dma2 semaphore(%arg27 : memref<!tpu.dma_semaphore, #tpu.memory_space<semaphore_mem>>) src(%arg10 : memref<10x64xf32, #tpu.memory_space<hbm>>) dst(%arg22 : memref<10x64xf32, #tpu.memory_space<vmem>>)
    tpu.wait_dma2 semaphore(%arg27 : memref<!tpu.dma_semaphore, #tpu.memory_space<semaphore_mem>>) src(%arg8 : memref<10x64xf32, #tpu.memory_space<hbm>>) dst(%arg21 : memref<10x64xf32, #tpu.memory_space<vmem>>)
    tpu.wait_dma2 semaphore(%arg27 : memref<!tpu.dma_semaphore, #tpu.memory_space<semaphore_mem>>) src(%arg6 : memref<32x64xf32, #tpu.memory_space<hbm>>) dst(%arg18 : memref<32x64xf32, #tpu.memory_space<vmem>>)
    tpu.wait_dma2 semaphore(%arg27 : memref<!tpu.dma_semaphore, #tpu.memory_space<semaphore_mem>>) src(%arg5 : memref<32x64xf32, #tpu.memory_space<hbm>>) dst(%arg17 : memref<32x64xf32, #tpu.memory_space<vmem>>)
    %dma_wait3A_12 = arith.constant 0 : i32
    %dma_wait3A_13 = arith.constant 0 : i32
    %dma_wait3A_14 = tpu.memref_slice %arg7[%dma_wait3A_12, %dma_wait3A_13] : memref<100000x32xf32, #tpu.memory_space<hbm>> -> memref<100000x32xf32, #tpu.memory_space<hbm>>
    tpu.wait_indirect_dma semaphore(%arg26 : memref<!tpu.dma_semaphore, #tpu.memory_space<semaphore_mem>>) src(%dma_wait3A_14 : memref<100000x32xf32, #tpu.memory_space<hbm>>) dst(%arg19 : memref<512x32xf32, #tpu.memory_space<vmem>>)
    %get3A = arith.constant 0 : i32
    %get3A_15 = arith.index_cast %get3A : i32 to index
    %get3A_16 = arith.constant 0 : index
    %get3A_17 = tpu.vector_load %arg21[%get3A_15, %get3A_16] {strides = array<i32>} : memref<10x64xf32, #tpu.memory_space<vmem>>, vector<16xf32>,
    %get3A_18 = arith.constant 0 : i32
    %get3A_19 = arith.index_cast %get3A_18 : i32 to index
    %get3A_20 = arith.constant 16 : index
    %get3A_21 = tpu.vector_load %arg21[%get3A_19, %get3A_20] {strides = array<i32>} : memref<10x64xf32, #tpu.memory_space<vmem>>, vector<16xf32>,
    %get3A_22 = arith.constant 0 : i32
    %get3A_23 = arith.index_cast %get3A_22 : i32 to index
    %get3A_24 = arith.constant 32 : index
    %get3A_25 = tpu.vector_load %arg21[%get3A_23, %get3A_24] {strides = array<i32>} : memref<10x64xf32, #tpu.memory_space<vmem>>, vector<16xf32>,
    %get3A_26 = arith.constant 0 : i32
    %get3A_27 = arith.index_cast %get3A_26 : i32 to index
    %get3A_28 = arith.constant 48 : index
    %get3A_29 = tpu.vector_load %arg21[%get3A_27, %get3A_28] {strides = array<i32>} : memref<10x64xf32, #tpu.memory_space<vmem>>, vector<16xf32>,
    %get3A_30 = arith.constant 1 : i32
    %get3A_31 = arith.index_cast %get3A_30 : i32 to index
    %get3A_32 = arith.constant 0 : index
    %get3A_33 = tpu.vector_load %arg21[%get3A_31, %get3A_32] {strides = array<i32>} : memref<10x64xf32, #tpu.memory_space<vmem>>, vector<16xf32>,
    %get3A_34 = arith.constant 1 : i32
    %get3A_35 = arith.index_cast %get3A_34 : i32 to index
    %get3A_36 = arith.constant 16 : index
    %get3A_37 = tpu.vector_load %arg21[%get3A_35, %get3A_36] {strides = array<i32>} : memref<10x64xf32, #tpu.memory_space<vmem>>, vector<16xf32>,
    %get3A_38 = arith.constant 1 : i32
    %get3A_39 = arith.index_cast %get3A_38 : i32 to index
    %get3A_40 = arith.constant 32 : index
    %get3A_41 = tpu.vector_load %arg21[%get3A_39, %get3A_40] {strides = array<i32>} : memref<10x64xf32, #tpu.memory_space<vmem>>, vector<16xf32>,
    %get3A_42 = arith.constant 1 : i32
    %get3A_43 = arith.index_cast %get3A_42 : i32 to index
    %get3A_44 = arith.constant 48 : index
    %get3A_45 = tpu.vector_load %arg21[%get3A_43, %get3A_44] {strides = array<i32>} : memref<10x64xf32, #tpu.memory_space<vmem>>, vector<16xf32>,
    %get3A_46 = arith.constant 2 : i32
    %get3A_47 = arith.index_cast %get3A_46 : i32 to index
    %get3A_48 = arith.constant 0 : index
    %get3A_49 = tpu.vector_load %arg21[%get3A_47, %get3A_48] {strides = array<i32>} : memref<10x64xf32, #tpu.memory_space<vmem>>, vector<16xf32>,
    %get3A_50 = arith.constant 2 : i32
    %get3A_51 = arith.index_cast %get3A_50 : i32 to index
    %get3A_52 = arith.constant 16 : index
    %get3A_53 = tpu.vector_load %arg21[%get3A_51, %get3A_52] {strides = array<i32>} : memref<10x64xf32, #tpu.memory_space<vmem>>, vector<16xf32>,
    %get3A_54 = arith.constant 2 : i32
    %get3A_55 = arith.index_cast %get3A_54 : i32 to index
    %get3A_56 = arith.constant 32 : index
    %get3A_57 = tpu.vector_load %arg21[%get3A_55, %get3A_56] {strides = array<i32>} : memref<10x64xf32, #tpu.memory_space<vmem>>, vector<16xf32>,
    %get3A_58 = arith.constant 2 : i32
    %get3A_59 = arith.index_cast %get3A_58 : i32 to index
    %get3A_60 = arith.constant 48 : index
    %get3A_61 = tpu.vector_load %arg21[%get3A_59, %get3A_60] {strides = array<i32>} : memref<10x64xf32, #tpu.memory_space<vmem>>, vector<16xf32>,
    %get3A_62 = arith.constant 3 : i32
    %get3A_63 = arith.index_cast %get3A_62 : i32 to index
    %get3A_64 = arith.constant 0 : index
    %get3A_65 = tpu.vector_load %arg21[%get3A_63, %get3A_64] {strides = array<i32>} : memref<10x64xf32, #tpu.memory_space<vmem>>, vector<16xf32>,
    %get3A_66 = arith.constant 3 : i32
    %get3A_67 = arith.index_cast %get3A_66 : i32 to index
    %get3A_68 = arith.constant 16 : index
    %get3A_69 = tpu.vector_load %arg21[%get3A_67, %get3A_68] {strides = array<i32>} : memref<10x64xf32, #tpu.memory_space<vmem>>, vector<16xf32>,
    %get3A_70 = arith.constant 3 : i32
    %get3A_71 = arith.index_cast %get3A_70 : i32 to index
    %get3A_72 = arith.constant 32 : index
    %get3A_73 = tpu.vector_load %arg21[%get3A_71, %get3A_72] {strides = array<i32>} : memref<10x64xf32, #tpu.memory_space<vmem>>, vector<16xf32>,
    %get3A_74 = arith.constant 3 : i32
    %get3A_75 = arith.index_cast %get3A_74 : i32 to index
    %get3A_76 = arith.constant 48 : index
    %get3A_77 = tpu.vector_load %arg21[%get3A_75, %get3A_76] {strides = array<i32>} : memref<10x64xf32, #tpu.memory_space<vmem>>, vector<16xf32>,
    %get3A_78 = arith.constant 4 : i32
    %get3A_79 = arith.index_cast %get3A_78 : i32 to index
    %get3A_80 = arith.constant 0 : index
    %get3A_81 = tpu.vector_load %arg21[%get3A_79, %get3A_80] {strides = array<i32>} : memref<10x64xf32, #tpu.memory_space<vmem>>, vector<16xf32>,
    %get3A_82 = arith.constant 4 : i32
    %get3A_83 = arith.index_cast %get3A_82 : i32 to index
    %get3A_84 = arith.constant 16 : index
    %get3A_85 = tpu.vector_load %arg21[%get3A_83, %get3A_84] {strides = array<i32>} : memref<10x64xf32, #tpu.memory_space<vmem>>, vector<16xf32>,
    %get3A_86 = arith.constant 4 : i32
    %get3A_87 = arith.index_cast %get3A_86 : i32 to index
    %get3A_88 = arith.constant 32 : index
    %get3A_89 = tpu.vector_load %arg21[%get3A_87, %get3A_88] {strides = array<i32>} : memref<10x64xf32, #tpu.memory_space<vmem>>, vector<16xf32>,
    %get3A_90 = arith.constant 4 : i32
    %get3A_91 = arith.index_cast %get3A_90 : i32 to index
    %get3A_92 = arith.constant 48 : index
    %get3A_93 = tpu.vector_load %arg21[%get3A_91, %get3A_92] {strides = array<i32>} : memref<10x64xf32, #tpu.memory_space<vmem>>, vector<16xf32>,
    %get3A_94 = arith.constant 5 : i32
    %get3A_95 = arith.index_cast %get3A_94 : i32 to index
    %get3A_96 = arith.constant 0 : index
    %get3A_97 = tpu.vector_load %arg21[%get3A_95, %get3A_96] {strides = array<i32>} : memref<10x64xf32, #tpu.memory_space<vmem>>, vector<16xf32>,
    %get3A_98 = arith.constant 5 : i32
    %get3A_99 = arith.index_cast %get3A_98 : i32 to index
    %get3A_100 = arith.constant 16 : index
    %get3A_101 = tpu.vector_load %arg21[%get3A_99, %get3A_100] {strides = array<i32>} : memref<10x64xf32, #tpu.memory_space<vmem>>, vector<16xf32>,
    %get3A_102 = arith.constant 5 : i32
    %get3A_103 = arith.index_cast %get3A_102 : i32 to index
    %get3A_104 = arith.constant 32 : index
    %get3A_105 = tpu.vector_load %arg21[%get3A_103, %get3A_104] {strides = array<i32>} : memref<10x64xf32, #tpu.memory_space<vmem>>, vector<16xf32>,
    %get3A_106 = arith.constant 5 : i32
    %get3A_107 = arith.index_cast %get3A_106 : i32 to index
    %get3A_108 = arith.constant 48 : index
    %get3A_109 = tpu.vector_load %arg21[%get3A_107, %get3A_108] {strides = array<i32>} : memref<10x64xf32, #tpu.memory_space<vmem>>, vector<16xf32>,
    %get3A_110 = arith.constant 6 : i32
    %get3A_111 = arith.index_cast %get3A_110 : i32 to index
    %get3A_112 = arith.constant 0 : index
    %get3A_113 = tpu.vector_load %arg21[%get3A_111, %get3A_112] {strides = array<i32>} : memref<10x64xf32, #tpu.memory_space<vmem>>, vector<16xf32>,
    %get3A_114 = arith.constant 6 : i32
    %get3A_115 = arith.index_cast %get3A_114 : i32 to index
    %get3A_116 = arith.constant 16 : index
    %get3A_117 = tpu.vector_load %arg21[%get3A_115, %get3A_116] {strides = array<i32>} : memref<10x64xf32, #tpu.memory_space<vmem>>, vector<16xf32>,
    %get3A_118 = arith.constant 6 : i32
    %get3A_119 = arith.index_cast %get3A_118 : i32 to index
    %get3A_120 = arith.constant 32 : index
    %get3A_121 = tpu.vector_load %arg21[%get3A_119, %get3A_120] {strides = array<i32>} : memref<10x64xf32, #tpu.memory_space<vmem>>, vector<16xf32>,
    %get3A_122 = arith.constant 6 : i32
    %get3A_123 = arith.index_cast %get3A_122 : i32 to index
    %get3A_124 = arith.constant 48 : index
    %get3A_125 = tpu.vector_load %arg21[%get3A_123, %get3A_124] {strides = array<i32>} : memref<10x64xf32, #tpu.memory_space<vmem>>, vector<16xf32>,
    %get3A_126 = arith.constant 7 : i32
    %get3A_127 = arith.index_cast %get3A_126 : i32 to index
    %get3A_128 = arith.constant 0 : index
    %get3A_129 = tpu.vector_load %arg21[%get3A_127, %get3A_128] {strides = array<i32>} : memref<10x64xf32, #tpu.memory_space<vmem>>, vector<16xf32>,
    %get3A_130 = arith.constant 7 : i32
    %get3A_131 = arith.index_cast %get3A_130 : i32 to index
    %get3A_132 = arith.constant 16 : index
    %get3A_133 = tpu.vector_load %arg21[%get3A_131, %get3A_132] {strides = array<i32>} : memref<10x64xf32, #tpu.memory_space<vmem>>, vector<16xf32>,
    %get3A_134 = arith.constant 7 : i32
    %get3A_135 = arith.index_cast %get3A_134 : i32 to index
    %get3A_136 = arith.constant 32 : index
    %get3A_137 = tpu.vector_load %arg21[%get3A_135, %get3A_136] {strides = array<i32>} : memref<10x64xf32, #tpu.memory_space<vmem>>, vector<16xf32>,
    %get3A_138 = arith.constant 7 : i32
    %get3A_139 = arith.index_cast %get3A_138 : i32 to index
    %get3A_140 = arith.constant 48 : index
    %get3A_141 = tpu.vector_load %arg21[%get3A_139, %get3A_140] {strides = array<i32>} : memref<10x64xf32, #tpu.memory_space<vmem>>, vector<16xf32>,
    %get3A_142 = arith.constant 8 : i32
    %get3A_143 = arith.index_cast %get3A_142 : i32 to index
    %get3A_144 = arith.constant 0 : index
    %get3A_145 = tpu.vector_load %arg21[%get3A_143, %get3A_144] {strides = array<i32>} : memref<10x64xf32, #tpu.memory_space<vmem>>, vector<16xf32>,
    %get3A_146 = arith.constant 8 : i32
    %get3A_147 = arith.index_cast %get3A_146 : i32 to index
    %get3A_148 = arith.constant 16 : index
    %get3A_149 = tpu.vector_load %arg21[%get3A_147, %get3A_148] {strides = array<i32>} : memref<10x64xf32, #tpu.memory_space<vmem>>, vector<16xf32>,
    %get3A_150 = arith.constant 8 : i32
    %get3A_151 = arith.index_cast %get3A_150 : i32 to index
    %get3A_152 = arith.constant 32 : index
    %get3A_153 = tpu.vector_load %arg21[%get3A_151, %get3A_152] {strides = array<i32>} : memref<10x64xf32, #tpu.memory_space<vmem>>, vector<16xf32>,
    %get3A_154 = arith.constant 8 : i32
    %get3A_155 = arith.index_cast %get3A_154 : i32 to index
    %get3A_156 = arith.constant 48 : index
    %get3A_157 = tpu.vector_load %arg21[%get3A_155, %get3A_156] {strides = array<i32>} : memref<10x64xf32, #tpu.memory_space<vmem>>, vector<16xf32>,
    %get3A_158 = arith.constant 9 : i32
    %get3A_159 = arith.index_cast %get3A_158 : i32 to index
    %get3A_160 = arith.constant 0 : index
    %get3A_161 = tpu.vector_load %arg21[%get3A_159, %get3A_160] {strides = array<i32>} : memref<10x64xf32, #tpu.memory_space<vmem>>, vector<16xf32>,
    %get3A_162 = arith.constant 9 : i32
    %get3A_163 = arith.index_cast %get3A_162 : i32 to index
    %get3A_164 = arith.constant 16 : index
    %get3A_165 = tpu.vector_load %arg21[%get3A_163, %get3A_164] {strides = array<i32>} : memref<10x64xf32, #tpu.memory_space<vmem>>, vector<16xf32>,
    %get3A_166 = arith.constant 9 : i32
    %get3A_167 = arith.index_cast %get3A_166 : i32 to index
    %get3A_168 = arith.constant 32 : index
    %get3A_169 = tpu.vector_load %arg21[%get3A_167, %get3A_168] {strides = array<i32>} : memref<10x64xf32, #tpu.memory_space<vmem>>, vector<16xf32>,
    %get3A_170 = arith.constant 9 : i32
    %get3A_171 = arith.index_cast %get3A_170 : i32 to index
    %get3A_172 = arith.constant 48 : index
    %get3A_173 = tpu.vector_load %arg21[%get3A_171, %get3A_172] {strides = array<i32>} : memref<10x64xf32, #tpu.memory_space<vmem>>, vector<16xf32>,
    %get3A_174 = arith.constant 0 : index
    %get3A_175 = tpu.vector_load %arg23[%get3A_174] {strides = array<i32>} : memref<64xf32, #tpu.memory_space<vmem>>, vector<16xf32>,
    %get3A_176 = arith.constant 16 : index
    %get3A_177 = tpu.vector_load %arg23[%get3A_176] {strides = array<i32>} : memref<64xf32, #tpu.memory_space<vmem>>, vector<16xf32>,
    %get3A_178 = arith.constant 32 : index
    %get3A_179 = tpu.vector_load %arg23[%get3A_178] {strides = array<i32>} : memref<64xf32, #tpu.memory_space<vmem>>, vector<16xf32>,
    %get3A_180 = arith.constant 48 : index
    %get3A_181 = tpu.vector_load %arg23[%get3A_180] {strides = array<i32>} : memref<64xf32, #tpu.memory_space<vmem>>, vector<16xf32>,
    %iota3A = tpu.iota {dimensions = array<i32: 0>} : vector<16xi32>
    %parallel_loop3A = arith.constant 0 : i32
    %parallel_loop3A_182 = arith.constant 512 : i32
    %parallel_loop3A_183 = arith.constant 1 : i32
    scf.for %parallel_loop3A_356 = %parallel_loop3A to %parallel_loop3A_182 step %parallel_loop3A_183  : i32 {
      %parallel_loop3A_357 = vector.broadcast %parallel_loop3A_356 : i32 to vector<16xi32>
      %parallel_loop3A_358 = tpu.vector_load_idx %arg15[%parallel_loop3A_357] : memref<512xi32, #tpu.memory_space<vmem>>[vector<16xi32>], vector<16xi32>,
      %parallel_loop3A_359 = arith.constant 0 : i32
      %parallel_loop3A_360 = vector.broadcast %parallel_loop3A_359 : i32 to vector<16xi32>
      %parallel_loop3A_361 = arith.addi %iota3A, %parallel_loop3A_360 : vector<16xi32>
      %parallel_loop3A_362 = tpu.vector_load_idx %arg17[%parallel_loop3A_358, %parallel_loop3A_361] : memref<32x64xf32, #tpu.memory_space<vmem>>[vector<16xi32>, vector<16xi32>], vector<16xf32>,
      %parallel_loop3A_363 = arith.index_cast %parallel_loop3A_356 : i32 to index
      %parallel_loop3A_364 = arith.constant 0 : index
      %parallel_loop3A_365 = tpu.vector_load %arg20[%parallel_loop3A_363, %parallel_loop3A_364] {strides = array<i32>} : memref<512x128xf32, #tpu.memory_space<vmem>>, vector<16xf32>,
      tpu.vector_store %arg20[%parallel_loop3A_363, %parallel_loop3A_364], %parallel_loop3A_362 {strides = array<i32>} : memref<512x128xf32, #tpu.memory_space<vmem>>, vector<16xf32>,
      %parallel_loop3A_366 = arith.constant 16 : i32
      %parallel_loop3A_367 = vector.broadcast %parallel_loop3A_366 : i32 to vector<16xi32>
      %parallel_loop3A_368 = arith.addi %iota3A, %parallel_loop3A_367 : vector<16xi32>
      %parallel_loop3A_369 = tpu.vector_load_idx %arg17[%parallel_loop3A_358, %parallel_loop3A_368] : memref<32x64xf32, #tpu.memory_space<vmem>>[vector<16xi32>, vector<16xi32>], vector<16xf32>,
      %parallel_loop3A_370 = arith.index_cast %parallel_loop3A_356 : i32 to index
      %parallel_loop3A_371 = arith.constant 16 : index
      %parallel_loop3A_372 = tpu.vector_load %arg20[%parallel_loop3A_370, %parallel_loop3A_371] {strides = array<i32>} : memref<512x128xf32, #tpu.memory_space<vmem>>, vector<16xf32>,
      tpu.vector_store %arg20[%parallel_loop3A_370, %parallel_loop3A_371], %parallel_loop3A_369 {strides = array<i32>} : memref<512x128xf32, #tpu.memory_space<vmem>>, vector<16xf32>,
      %parallel_loop3A_373 = arith.constant 32 : i32
      %parallel_loop3A_374 = vector.broadcast %parallel_loop3A_373 : i32 to vector<16xi32>
      %parallel_loop3A_375 = arith.addi %iota3A, %parallel_loop3A_374 : vector<16xi32>
      %parallel_loop3A_376 = tpu.vector_load_idx %arg17[%parallel_loop3A_358, %parallel_loop3A_375] : memref<32x64xf32, #tpu.memory_space<vmem>>[vector<16xi32>, vector<16xi32>], vector<16xf32>,
      %parallel_loop3A_377 = arith.index_cast %parallel_loop3A_356 : i32 to index
      %parallel_loop3A_378 = arith.constant 32 : index
      %parallel_loop3A_379 = tpu.vector_load %arg20[%parallel_loop3A_377, %parallel_loop3A_378] {strides = array<i32>} : memref<512x128xf32, #tpu.memory_space<vmem>>, vector<16xf32>,
      tpu.vector_store %arg20[%parallel_loop3A_377, %parallel_loop3A_378], %parallel_loop3A_376 {strides = array<i32>} : memref<512x128xf32, #tpu.memory_space<vmem>>, vector<16xf32>,
      %parallel_loop3A_380 = arith.constant 48 : i32
      %parallel_loop3A_381 = vector.broadcast %parallel_loop3A_380 : i32 to vector<16xi32>
      %parallel_loop3A_382 = arith.addi %iota3A, %parallel_loop3A_381 : vector<16xi32>
      %parallel_loop3A_383 = tpu.vector_load_idx %arg17[%parallel_loop3A_358, %parallel_loop3A_382] : memref<32x64xf32, #tpu.memory_space<vmem>>[vector<16xi32>, vector<16xi32>], vector<16xf32>,
      %parallel_loop3A_384 = arith.index_cast %parallel_loop3A_356 : i32 to index
      %parallel_loop3A_385 = arith.constant 48 : index
      %parallel_loop3A_386 = tpu.vector_load %arg20[%parallel_loop3A_384, %parallel_loop3A_385] {strides = array<i32>} : memref<512x128xf32, #tpu.memory_space<vmem>>, vector<16xf32>,
      tpu.vector_store %arg20[%parallel_loop3A_384, %parallel_loop3A_385], %parallel_loop3A_383 {strides = array<i32>} : memref<512x128xf32, #tpu.memory_space<vmem>>, vector<16xf32>,
      %parallel_loop3A_387 = arith.constant 0 : i32
      %parallel_loop3A_388 = vector.broadcast %parallel_loop3A_387 : i32 to vector<16xi32>
      %parallel_loop3A_389 = tpu.vector_load_idx %arg19[%parallel_loop3A_357, %parallel_loop3A_388] : memref<512x32xf32, #tpu.memory_space<vmem>>[vector<16xi32>, vector<16xi32>], vector<16xf32>,
      %parallel_loop3A_390 = arith.mulf %parallel_loop3A_389, %get3A_17 : vector<16xf32>
      %parallel_loop3A_391 = arith.addf %get3A_175, %parallel_loop3A_390 : vector<16xf32>
      %parallel_loop3A_392 = arith.mulf %parallel_loop3A_389, %get3A_21 : vector<16xf32>
      %parallel_loop3A_393 = arith.addf %get3A_177, %parallel_loop3A_392 : vector<16xf32>
      %parallel_loop3A_394 = arith.mulf %parallel_loop3A_389, %get3A_25 : vector<16xf32>
      %parallel_loop3A_395 = arith.addf %get3A_179, %parallel_loop3A_394 : vector<16xf32>
      %parallel_loop3A_396 = arith.mulf %parallel_loop3A_389, %get3A_29 : vector<16xf32>
      %parallel_loop3A_397 = arith.addf %get3A_181, %parallel_loop3A_396 : vector<16xf32>
      %parallel_loop3A_398 = arith.constant 1 : i32
      %parallel_loop3A_399 = vector.broadcast %parallel_loop3A_398 : i32 to vector<16xi32>
      %parallel_loop3A_400 = tpu.vector_load_idx %arg19[%parallel_loop3A_357, %parallel_loop3A_399] : memref<512x32xf32, #tpu.memory_space<vmem>>[vector<16xi32>, vector<16xi32>], vector<16xf32>,
      %parallel_loop3A_401 = arith.mulf %parallel_loop3A_400, %get3A_33 : vector<16xf32>
      %parallel_loop3A_402 = arith.addf %parallel_loop3A_391, %parallel_loop3A_401 : vector<16xf32>
      %parallel_loop3A_403 = arith.mulf %parallel_loop3A_400, %get3A_37 : vector<16xf32>
      %parallel_loop3A_404 = arith.addf %parallel_loop3A_393, %parallel_loop3A_403 : vector<16xf32>
      %parallel_loop3A_405 = arith.mulf %parallel_loop3A_400, %get3A_41 : vector<16xf32>
      %parallel_loop3A_406 = arith.addf %parallel_loop3A_395, %parallel_loop3A_405 : vector<16xf32>
      %parallel_loop3A_407 = arith.mulf %parallel_loop3A_400, %get3A_45 : vector<16xf32>
      %parallel_loop3A_408 = arith.addf %parallel_loop3A_397, %parallel_loop3A_407 : vector<16xf32>
      %parallel_loop3A_409 = arith.constant 2 : i32
      %parallel_loop3A_410 = vector.broadcast %parallel_loop3A_409 : i32 to vector<16xi32>
      %parallel_loop3A_411 = tpu.vector_load_idx %arg19[%parallel_loop3A_357, %parallel_loop3A_410] : memref<512x32xf32, #tpu.memory_space<vmem>>[vector<16xi32>, vector<16xi32>], vector<16xf32>,
      %parallel_loop3A_412 = arith.mulf %parallel_loop3A_411, %get3A_49 : vector<16xf32>
      %parallel_loop3A_413 = arith.addf %parallel_loop3A_402, %parallel_loop3A_412 : vector<16xf32>
      %parallel_loop3A_414 = arith.mulf %parallel_loop3A_411, %get3A_53 : vector<16xf32>
      %parallel_loop3A_415 = arith.addf %parallel_loop3A_404, %parallel_loop3A_414 : vector<16xf32>
      %parallel_loop3A_416 = arith.mulf %parallel_loop3A_411, %get3A_57 : vector<16xf32>
      %parallel_loop3A_417 = arith.addf %parallel_loop3A_406, %parallel_loop3A_416 : vector<16xf32>
      %parallel_loop3A_418 = arith.mulf %parallel_loop3A_411, %get3A_61 : vector<16xf32>
      %parallel_loop3A_419 = arith.addf %parallel_loop3A_408, %parallel_loop3A_418 : vector<16xf32>
      %parallel_loop3A_420 = arith.constant 3 : i32
      %parallel_loop3A_421 = vector.broadcast %parallel_loop3A_420 : i32 to vector<16xi32>
      %parallel_loop3A_422 = tpu.vector_load_idx %arg19[%parallel_loop3A_357, %parallel_loop3A_421] : memref<512x32xf32, #tpu.memory_space<vmem>>[vector<16xi32>, vector<16xi32>], vector<16xf32>,
      %parallel_loop3A_423 = arith.mulf %parallel_loop3A_422, %get3A_65 : vector<16xf32>
      %parallel_loop3A_424 = arith.addf %parallel_loop3A_413, %parallel_loop3A_423 : vector<16xf32>
      %parallel_loop3A_425 = arith.mulf %parallel_loop3A_422, %get3A_69 : vector<16xf32>
      %parallel_loop3A_426 = arith.addf %parallel_loop3A_415, %parallel_loop3A_425 : vector<16xf32>
      %parallel_loop3A_427 = arith.mulf %parallel_loop3A_422, %get3A_73 : vector<16xf32>
      %parallel_loop3A_428 = arith.addf %parallel_loop3A_417, %parallel_loop3A_427 : vector<16xf32>
      %parallel_loop3A_429 = arith.mulf %parallel_loop3A_422, %get3A_77 : vector<16xf32>
      %parallel_loop3A_430 = arith.addf %parallel_loop3A_419, %parallel_loop3A_429 : vector<16xf32>
      %parallel_loop3A_431 = arith.constant 4 : i32
      %parallel_loop3A_432 = vector.broadcast %parallel_loop3A_431 : i32 to vector<16xi32>
      %parallel_loop3A_433 = tpu.vector_load_idx %arg19[%parallel_loop3A_357, %parallel_loop3A_432] : memref<512x32xf32, #tpu.memory_space<vmem>>[vector<16xi32>, vector<16xi32>], vector<16xf32>,
      %parallel_loop3A_434 = arith.mulf %parallel_loop3A_433, %get3A_81 : vector<16xf32>
      %parallel_loop3A_435 = arith.addf %parallel_loop3A_424, %parallel_loop3A_434 : vector<16xf32>
      %parallel_loop3A_436 = arith.mulf %parallel_loop3A_433, %get3A_85 : vector<16xf32>
      %parallel_loop3A_437 = arith.addf %parallel_loop3A_426, %parallel_loop3A_436 : vector<16xf32>
      %parallel_loop3A_438 = arith.mulf %parallel_loop3A_433, %get3A_89 : vector<16xf32>
      %parallel_loop3A_439 = arith.addf %parallel_loop3A_428, %parallel_loop3A_438 : vector<16xf32>
      %parallel_loop3A_440 = arith.mulf %parallel_loop3A_433, %get3A_93 : vector<16xf32>
      %parallel_loop3A_441 = arith.addf %parallel_loop3A_430, %parallel_loop3A_440 : vector<16xf32>
      %parallel_loop3A_442 = arith.constant 5 : i32
      %parallel_loop3A_443 = vector.broadcast %parallel_loop3A_442 : i32 to vector<16xi32>
      %parallel_loop3A_444 = tpu.vector_load_idx %arg19[%parallel_loop3A_357, %parallel_loop3A_443] : memref<512x32xf32, #tpu.memory_space<vmem>>[vector<16xi32>, vector<16xi32>], vector<16xf32>,
      %parallel_loop3A_445 = arith.mulf %parallel_loop3A_444, %get3A_97 : vector<16xf32>
      %parallel_loop3A_446 = arith.addf %parallel_loop3A_435, %parallel_loop3A_445 : vector<16xf32>
      %parallel_loop3A_447 = arith.mulf %parallel_loop3A_444, %get3A_101 : vector<16xf32>
      %parallel_loop3A_448 = arith.addf %parallel_loop3A_437, %parallel_loop3A_447 : vector<16xf32>
      %parallel_loop3A_449 = arith.mulf %parallel_loop3A_444, %get3A_105 : vector<16xf32>
      %parallel_loop3A_450 = arith.addf %parallel_loop3A_439, %parallel_loop3A_449 : vector<16xf32>
      %parallel_loop3A_451 = arith.mulf %parallel_loop3A_444, %get3A_109 : vector<16xf32>
      %parallel_loop3A_452 = arith.addf %parallel_loop3A_441, %parallel_loop3A_451 : vector<16xf32>
      %parallel_loop3A_453 = arith.constant 6 : i32
      %parallel_loop3A_454 = vector.broadcast %parallel_loop3A_453 : i32 to vector<16xi32>
      %parallel_loop3A_455 = tpu.vector_load_idx %arg19[%parallel_loop3A_357, %parallel_loop3A_454] : memref<512x32xf32, #tpu.memory_space<vmem>>[vector<16xi32>, vector<16xi32>], vector<16xf32>,
      %parallel_loop3A_456 = arith.mulf %parallel_loop3A_455, %get3A_113 : vector<16xf32>
      %parallel_loop3A_457 = arith.addf %parallel_loop3A_446, %parallel_loop3A_456 : vector<16xf32>
      %parallel_loop3A_458 = arith.mulf %parallel_loop3A_455, %get3A_117 : vector<16xf32>
      %parallel_loop3A_459 = arith.addf %parallel_loop3A_448, %parallel_loop3A_458 : vector<16xf32>
      %parallel_loop3A_460 = arith.mulf %parallel_loop3A_455, %get3A_121 : vector<16xf32>
      %parallel_loop3A_461 = arith.addf %parallel_loop3A_450, %parallel_loop3A_460 : vector<16xf32>
      %parallel_loop3A_462 = arith.mulf %parallel_loop3A_455, %get3A_125 : vector<16xf32>
      %parallel_loop3A_463 = arith.addf %parallel_loop3A_452, %parallel_loop3A_462 : vector<16xf32>
      %parallel_loop3A_464 = arith.constant 7 : i32
      %parallel_loop3A_465 = vector.broadcast %parallel_loop3A_464 : i32 to vector<16xi32>
      %parallel_loop3A_466 = tpu.vector_load_idx %arg19[%parallel_loop3A_357, %parallel_loop3A_465] : memref<512x32xf32, #tpu.memory_space<vmem>>[vector<16xi32>, vector<16xi32>], vector<16xf32>,
      %parallel_loop3A_467 = arith.mulf %parallel_loop3A_466, %get3A_129 : vector<16xf32>
      %parallel_loop3A_468 = arith.addf %parallel_loop3A_457, %parallel_loop3A_467 : vector<16xf32>
      %parallel_loop3A_469 = arith.mulf %parallel_loop3A_466, %get3A_133 : vector<16xf32>
      %parallel_loop3A_470 = arith.addf %parallel_loop3A_459, %parallel_loop3A_469 : vector<16xf32>
      %parallel_loop3A_471 = arith.mulf %parallel_loop3A_466, %get3A_137 : vector<16xf32>
      %parallel_loop3A_472 = arith.addf %parallel_loop3A_461, %parallel_loop3A_471 : vector<16xf32>
      %parallel_loop3A_473 = arith.mulf %parallel_loop3A_466, %get3A_141 : vector<16xf32>
      %parallel_loop3A_474 = arith.addf %parallel_loop3A_463, %parallel_loop3A_473 : vector<16xf32>
      %parallel_loop3A_475 = arith.constant 8 : i32
      %parallel_loop3A_476 = vector.broadcast %parallel_loop3A_475 : i32 to vector<16xi32>
      %parallel_loop3A_477 = tpu.vector_load_idx %arg19[%parallel_loop3A_357, %parallel_loop3A_476] : memref<512x32xf32, #tpu.memory_space<vmem>>[vector<16xi32>, vector<16xi32>], vector<16xf32>,
      %parallel_loop3A_478 = arith.mulf %parallel_loop3A_477, %get3A_145 : vector<16xf32>
      %parallel_loop3A_479 = arith.addf %parallel_loop3A_468, %parallel_loop3A_478 : vector<16xf32>
      %parallel_loop3A_480 = arith.mulf %parallel_loop3A_477, %get3A_149 : vector<16xf32>
      %parallel_loop3A_481 = arith.addf %parallel_loop3A_470, %parallel_loop3A_480 : vector<16xf32>
      %parallel_loop3A_482 = arith.mulf %parallel_loop3A_477, %get3A_153 : vector<16xf32>
      %parallel_loop3A_483 = arith.addf %parallel_loop3A_472, %parallel_loop3A_482 : vector<16xf32>
      %parallel_loop3A_484 = arith.mulf %parallel_loop3A_477, %get3A_157 : vector<16xf32>
      %parallel_loop3A_485 = arith.addf %parallel_loop3A_474, %parallel_loop3A_484 : vector<16xf32>
      %parallel_loop3A_486 = arith.constant 9 : i32
      %parallel_loop3A_487 = vector.broadcast %parallel_loop3A_486 : i32 to vector<16xi32>
      %parallel_loop3A_488 = tpu.vector_load_idx %arg19[%parallel_loop3A_357, %parallel_loop3A_487] : memref<512x32xf32, #tpu.memory_space<vmem>>[vector<16xi32>, vector<16xi32>], vector<16xf32>,
      %parallel_loop3A_489 = arith.mulf %parallel_loop3A_488, %get3A_161 : vector<16xf32>
      %parallel_loop3A_490 = arith.addf %parallel_loop3A_479, %parallel_loop3A_489 : vector<16xf32>
      %parallel_loop3A_491 = arith.mulf %parallel_loop3A_488, %get3A_165 : vector<16xf32>
      %parallel_loop3A_492 = arith.addf %parallel_loop3A_481, %parallel_loop3A_491 : vector<16xf32>
      %parallel_loop3A_493 = arith.mulf %parallel_loop3A_488, %get3A_169 : vector<16xf32>
      %parallel_loop3A_494 = arith.addf %parallel_loop3A_483, %parallel_loop3A_493 : vector<16xf32>
      %parallel_loop3A_495 = arith.mulf %parallel_loop3A_488, %get3A_173 : vector<16xf32>
      %parallel_loop3A_496 = arith.addf %parallel_loop3A_485, %parallel_loop3A_495 : vector<16xf32>
      %parallel_loop3A_497 = arith.index_cast %parallel_loop3A_356 : i32 to index
      %parallel_loop3A_498 = arith.constant 64 : index
      %parallel_loop3A_499 = tpu.vector_load %arg20[%parallel_loop3A_497, %parallel_loop3A_498] {strides = array<i32>} : memref<512x128xf32, #tpu.memory_space<vmem>>, vector<16xf32>,
      tpu.vector_store %arg20[%parallel_loop3A_497, %parallel_loop3A_498], %parallel_loop3A_490 {strides = array<i32>} : memref<512x128xf32, #tpu.memory_space<vmem>>, vector<16xf32>,
      %parallel_loop3A_500 = arith.index_cast %parallel_loop3A_356 : i32 to index
      %parallel_loop3A_501 = arith.constant 80 : index
      %parallel_loop3A_502 = tpu.vector_load %arg20[%parallel_loop3A_500, %parallel_loop3A_501] {strides = array<i32>} : memref<512x128xf32, #tpu.memory_space<vmem>>, vector<16xf32>,
      tpu.vector_store %arg20[%parallel_loop3A_500, %parallel_loop3A_501], %parallel_loop3A_492 {strides = array<i32>} : memref<512x128xf32, #tpu.memory_space<vmem>>, vector<16xf32>,
      %parallel_loop3A_503 = arith.index_cast %parallel_loop3A_356 : i32 to index
      %parallel_loop3A_504 = arith.constant 96 : index
      %parallel_loop3A_505 = tpu.vector_load %arg20[%parallel_loop3A_503, %parallel_loop3A_504] {strides = array<i32>} : memref<512x128xf32, #tpu.memory_space<vmem>>, vector<16xf32>,
      tpu.vector_store %arg20[%parallel_loop3A_503, %parallel_loop3A_504], %parallel_loop3A_494 {strides = array<i32>} : memref<512x128xf32, #tpu.memory_space<vmem>>, vector<16xf32>,
      %parallel_loop3A_506 = arith.index_cast %parallel_loop3A_356 : i32 to index
      %parallel_loop3A_507 = arith.constant 112 : index
      %parallel_loop3A_508 = tpu.vector_load %arg20[%parallel_loop3A_506, %parallel_loop3A_507] {strides = array<i32>} : memref<512x128xf32, #tpu.memory_space<vmem>>, vector<16xf32>,
      tpu.vector_store %arg20[%parallel_loop3A_506, %parallel_loop3A_507], %parallel_loop3A_496 {strides = array<i32>} : memref<512x128xf32, #tpu.memory_space<vmem>>, vector<16xf32>,
    } {sc.loop_unroll_factor = 2 : i64, sc.parallel_access}
    "tpu.region"() ({
      %run_scoped3A = tpu.sem_alloc : memref<!tpu.dma_semaphore, #tpu.memory_space<semaphore_mem>>
      %dma_start3A_356 = arith.constant 0 : i32
      %dma_start3A_357 = tpu.memref_slice %arg12[%mul3A_2, %dma_start3A_356] : memref<16384x128xf32, #tpu.memory_space<hbm>> -> memref<512x128xf32, #tpu.memory_space<hbm>>
      %dma_start3A_358 = arith.constant 0 : i32
      %dma_start3A_359 = tpu.memref_slice %arg12[%mul3A_2, %dma_start3A_358] : memref<16384x128xf32, #tpu.memory_space<hbm>> -> memref<512x128xf32, #tpu.memory_space<hbm>>
      tpu.enqueue_dma source(%arg20 : memref<512x128xf32, #tpu.memory_space<vmem>>) target(%dma_start3A_359 : memref<512x128xf32, #tpu.memory_space<hbm>>) target_semaphore(%run_scoped3A : memref<!tpu.dma_semaphore, #tpu.memory_space<semaphore_mem>>)
      %dma_wait3A_360 = arith.constant 0 : i32
      %dma_wait3A_361 = tpu.memref_slice %arg12[%mul3A_2, %dma_wait3A_360] : memref<16384x128xf32, #tpu.memory_space<hbm>> -> memref<512x128xf32, #tpu.memory_space<hbm>>
      %dma_wait3A_362 = arith.constant 0 : i32
      %dma_wait3A_363 = tpu.memref_slice %arg12[%mul3A_2, %dma_wait3A_362] : memref<16384x128xf32, #tpu.memory_space<hbm>> -> memref<512x128xf32, #tpu.memory_space<hbm>>
      tpu.wait_dma2 semaphore(%run_scoped3A : memref<!tpu.dma_semaphore, #tpu.memory_space<semaphore_mem>>) src(%arg20 : memref<512x128xf32, #tpu.memory_space<vmem>>) dst(%dma_wait3A_363 : memref<512x128xf32, #tpu.memory_space<hbm>>)
      tpu.yield
    }) : () -> ()
    %get3A_184 = arith.constant 0 : i32
    %get3A_185 = arith.index_cast %get3A_184 : i32 to index
    %get3A_186 = arith.constant 0 : index
    %get3A_187 = tpu.vector_load %arg22[%get3A_185, %get3A_186] {strides = array<i32>} : memref<10x64xf32, #tpu.memory_space<vmem>>, vector<16xf32>,
    %get3A_188 = arith.constant 0 : i32
    %get3A_189 = arith.index_cast %get3A_188 : i32 to index
    %get3A_190 = arith.constant 16 : index
    %get3A_191 = tpu.vector_load %arg22[%get3A_189, %get3A_190] {strides = array<i32>} : memref<10x64xf32, #tpu.memory_space<vmem>>, vector<16xf32>,
    %get3A_192 = arith.constant 0 : i32
    %get3A_193 = arith.index_cast %get3A_192 : i32 to index
    %get3A_194 = arith.constant 32 : index
    %get3A_195 = tpu.vector_load %arg22[%get3A_193, %get3A_194] {strides = array<i32>} : memref<10x64xf32, #tpu.memory_space<vmem>>, vector<16xf32>,
    %get3A_196 = arith.constant 0 : i32
    %get3A_197 = arith.index_cast %get3A_196 : i32 to index
    %get3A_198 = arith.constant 48 : index
    %get3A_199 = tpu.vector_load %arg22[%get3A_197, %get3A_198] {strides = array<i32>} : memref<10x64xf32, #tpu.memory_space<vmem>>, vector<16xf32>,
    %get3A_200 = arith.constant 1 : i32
    %get3A_201 = arith.index_cast %get3A_200 : i32 to index
    %get3A_202 = arith.constant 0 : index
    %get3A_203 = tpu.vector_load %arg22[%get3A_201, %get3A_202] {strides = array<i32>} : memref<10x64xf32, #tpu.memory_space<vmem>>, vector<16xf32>,
    %get3A_204 = arith.constant 1 : i32
    %get3A_205 = arith.index_cast %get3A_204 : i32 to index
    %get3A_206 = arith.constant 16 : index
    %get3A_207 = tpu.vector_load %arg22[%get3A_205, %get3A_206] {strides = array<i32>} : memref<10x64xf32, #tpu.memory_space<vmem>>, vector<16xf32>,
    %get3A_208 = arith.constant 1 : i32
    %get3A_209 = arith.index_cast %get3A_208 : i32 to index
    %get3A_210 = arith.constant 32 : index
    %get3A_211 = tpu.vector_load %arg22[%get3A_209, %get3A_210] {strides = array<i32>} : memref<10x64xf32, #tpu.memory_space<vmem>>, vector<16xf32>,
    %get3A_212 = arith.constant 1 : i32
    %get3A_213 = arith.index_cast %get3A_212 : i32 to index
    %get3A_214 = arith.constant 48 : index
    %get3A_215 = tpu.vector_load %arg22[%get3A_213, %get3A_214] {strides = array<i32>} : memref<10x64xf32, #tpu.memory_space<vmem>>, vector<16xf32>,
    %get3A_216 = arith.constant 2 : i32
    %get3A_217 = arith.index_cast %get3A_216 : i32 to index
    %get3A_218 = arith.constant 0 : index
    %get3A_219 = tpu.vector_load %arg22[%get3A_217, %get3A_218] {strides = array<i32>} : memref<10x64xf32, #tpu.memory_space<vmem>>, vector<16xf32>,
    %get3A_220 = arith.constant 2 : i32
    %get3A_221 = arith.index_cast %get3A_220 : i32 to index
    %get3A_222 = arith.constant 16 : index
    %get3A_223 = tpu.vector_load %arg22[%get3A_221, %get3A_222] {strides = array<i32>} : memref<10x64xf32, #tpu.memory_space<vmem>>, vector<16xf32>,
    %get3A_224 = arith.constant 2 : i32
    %get3A_225 = arith.index_cast %get3A_224 : i32 to index
    %get3A_226 = arith.constant 32 : index
    %get3A_227 = tpu.vector_load %arg22[%get3A_225, %get3A_226] {strides = array<i32>} : memref<10x64xf32, #tpu.memory_space<vmem>>, vector<16xf32>,
    %get3A_228 = arith.constant 2 : i32
    %get3A_229 = arith.index_cast %get3A_228 : i32 to index
    %get3A_230 = arith.constant 48 : index
    %get3A_231 = tpu.vector_load %arg22[%get3A_229, %get3A_230] {strides = array<i32>} : memref<10x64xf32, #tpu.memory_space<vmem>>, vector<16xf32>,
    %get3A_232 = arith.constant 3 : i32
    %get3A_233 = arith.index_cast %get3A_232 : i32 to index
    %get3A_234 = arith.constant 0 : index
    %get3A_235 = tpu.vector_load %arg22[%get3A_233, %get3A_234] {strides = array<i32>} : memref<10x64xf32, #tpu.memory_space<vmem>>, vector<16xf32>,
    %get3A_236 = arith.constant 3 : i32
    %get3A_237 = arith.index_cast %get3A_236 : i32 to index
    %get3A_238 = arith.constant 16 : index
    %get3A_239 = tpu.vector_load %arg22[%get3A_237, %get3A_238] {strides = array<i32>} : memref<10x64xf32, #tpu.memory_space<vmem>>, vector<16xf32>,
    %get3A_240 = arith.constant 3 : i32
    %get3A_241 = arith.index_cast %get3A_240 : i32 to index
    %get3A_242 = arith.constant 32 : index
    %get3A_243 = tpu.vector_load %arg22[%get3A_241, %get3A_242] {strides = array<i32>} : memref<10x64xf32, #tpu.memory_space<vmem>>, vector<16xf32>,
    %get3A_244 = arith.constant 3 : i32
    %get3A_245 = arith.index_cast %get3A_244 : i32 to index
    %get3A_246 = arith.constant 48 : index
    %get3A_247 = tpu.vector_load %arg22[%get3A_245, %get3A_246] {strides = array<i32>} : memref<10x64xf32, #tpu.memory_space<vmem>>, vector<16xf32>,
    %get3A_248 = arith.constant 4 : i32
    %get3A_249 = arith.index_cast %get3A_248 : i32 to index
    %get3A_250 = arith.constant 0 : index
    %get3A_251 = tpu.vector_load %arg22[%get3A_249, %get3A_250] {strides = array<i32>} : memref<10x64xf32, #tpu.memory_space<vmem>>, vector<16xf32>,
    %get3A_252 = arith.constant 4 : i32
    %get3A_253 = arith.index_cast %get3A_252 : i32 to index
    %get3A_254 = arith.constant 16 : index
    %get3A_255 = tpu.vector_load %arg22[%get3A_253, %get3A_254] {strides = array<i32>} : memref<10x64xf32, #tpu.memory_space<vmem>>, vector<16xf32>,
    %get3A_256 = arith.constant 4 : i32
    %get3A_257 = arith.index_cast %get3A_256 : i32 to index
    %get3A_258 = arith.constant 32 : index
    %get3A_259 = tpu.vector_load %arg22[%get3A_257, %get3A_258] {strides = array<i32>} : memref<10x64xf32, #tpu.memory_space<vmem>>, vector<16xf32>,
    %get3A_260 = arith.constant 4 : i32
    %get3A_261 = arith.index_cast %get3A_260 : i32 to index
    %get3A_262 = arith.constant 48 : index
    %get3A_263 = tpu.vector_load %arg22[%get3A_261, %get3A_262] {strides = array<i32>} : memref<10x64xf32, #tpu.memory_space<vmem>>, vector<16xf32>,
    %get3A_264 = arith.constant 5 : i32
    %get3A_265 = arith.index_cast %get3A_264 : i32 to index
    %get3A_266 = arith.constant 0 : index
    %get3A_267 = tpu.vector_load %arg22[%get3A_265, %get3A_266] {strides = array<i32>} : memref<10x64xf32, #tpu.memory_space<vmem>>, vector<16xf32>,
    %get3A_268 = arith.constant 5 : i32
    %get3A_269 = arith.index_cast %get3A_268 : i32 to index
    %get3A_270 = arith.constant 16 : index
    %get3A_271 = tpu.vector_load %arg22[%get3A_269, %get3A_270] {strides = array<i32>} : memref<10x64xf32, #tpu.memory_space<vmem>>, vector<16xf32>,
    %get3A_272 = arith.constant 5 : i32
    %get3A_273 = arith.index_cast %get3A_272 : i32 to index
    %get3A_274 = arith.constant 32 : index
    %get3A_275 = tpu.vector_load %arg22[%get3A_273, %get3A_274] {strides = array<i32>} : memref<10x64xf32, #tpu.memory_space<vmem>>, vector<16xf32>,
    %get3A_276 = arith.constant 5 : i32
    %get3A_277 = arith.index_cast %get3A_276 : i32 to index
    %get3A_278 = arith.constant 48 : index
    %get3A_279 = tpu.vector_load %arg22[%get3A_277, %get3A_278] {strides = array<i32>} : memref<10x64xf32, #tpu.memory_space<vmem>>, vector<16xf32>,
    %get3A_280 = arith.constant 6 : i32
    %get3A_281 = arith.index_cast %get3A_280 : i32 to index
    %get3A_282 = arith.constant 0 : index
    %get3A_283 = tpu.vector_load %arg22[%get3A_281, %get3A_282] {strides = array<i32>} : memref<10x64xf32, #tpu.memory_space<vmem>>, vector<16xf32>,
    %get3A_284 = arith.constant 6 : i32
    %get3A_285 = arith.index_cast %get3A_284 : i32 to index
    %get3A_286 = arith.constant 16 : index
    %get3A_287 = tpu.vector_load %arg22[%get3A_285, %get3A_286] {strides = array<i32>} : memref<10x64xf32, #tpu.memory_space<vmem>>, vector<16xf32>,
    %get3A_288 = arith.constant 6 : i32
    %get3A_289 = arith.index_cast %get3A_288 : i32 to index
    %get3A_290 = arith.constant 32 : index
    %get3A_291 = tpu.vector_load %arg22[%get3A_289, %get3A_290] {strides = array<i32>} : memref<10x64xf32, #tpu.memory_space<vmem>>, vector<16xf32>,
    %get3A_292 = arith.constant 6 : i32
    %get3A_293 = arith.index_cast %get3A_292 : i32 to index
    %get3A_294 = arith.constant 48 : index
    %get3A_295 = tpu.vector_load %arg22[%get3A_293, %get3A_294] {strides = array<i32>} : memref<10x64xf32, #tpu.memory_space<vmem>>, vector<16xf32>,
    %get3A_296 = arith.constant 7 : i32
    %get3A_297 = arith.index_cast %get3A_296 : i32 to index
    %get3A_298 = arith.constant 0 : index
    %get3A_299 = tpu.vector_load %arg22[%get3A_297, %get3A_298] {strides = array<i32>} : memref<10x64xf32, #tpu.memory_space<vmem>>, vector<16xf32>,
    %get3A_300 = arith.constant 7 : i32
    %get3A_301 = arith.index_cast %get3A_300 : i32 to index
    %get3A_302 = arith.constant 16 : index
    %get3A_303 = tpu.vector_load %arg22[%get3A_301, %get3A_302] {strides = array<i32>} : memref<10x64xf32, #tpu.memory_space<vmem>>, vector<16xf32>,
    %get3A_304 = arith.constant 7 : i32
    %get3A_305 = arith.index_cast %get3A_304 : i32 to index
    %get3A_306 = arith.constant 32 : index
    %get3A_307 = tpu.vector_load %arg22[%get3A_305, %get3A_306] {strides = array<i32>} : memref<10x64xf32, #tpu.memory_space<vmem>>, vector<16xf32>,
    %get3A_308 = arith.constant 7 : i32
    %get3A_309 = arith.index_cast %get3A_308 : i32 to index
    %get3A_310 = arith.constant 48 : index
    %get3A_311 = tpu.vector_load %arg22[%get3A_309, %get3A_310] {strides = array<i32>} : memref<10x64xf32, #tpu.memory_space<vmem>>, vector<16xf32>,
    %get3A_312 = arith.constant 8 : i32
    %get3A_313 = arith.index_cast %get3A_312 : i32 to index
    %get3A_314 = arith.constant 0 : index
    %get3A_315 = tpu.vector_load %arg22[%get3A_313, %get3A_314] {strides = array<i32>} : memref<10x64xf32, #tpu.memory_space<vmem>>, vector<16xf32>,
    %get3A_316 = arith.constant 8 : i32
    %get3A_317 = arith.index_cast %get3A_316 : i32 to index
    %get3A_318 = arith.constant 16 : index
    %get3A_319 = tpu.vector_load %arg22[%get3A_317, %get3A_318] {strides = array<i32>} : memref<10x64xf32, #tpu.memory_space<vmem>>, vector<16xf32>,
    %get3A_320 = arith.constant 8 : i32
    %get3A_321 = arith.index_cast %get3A_320 : i32 to index
    %get3A_322 = arith.constant 32 : index
    %get3A_323 = tpu.vector_load %arg22[%get3A_321, %get3A_322] {strides = array<i32>} : memref<10x64xf32, #tpu.memory_space<vmem>>, vector<16xf32>,
    %get3A_324 = arith.constant 8 : i32
    %get3A_325 = arith.index_cast %get3A_324 : i32 to index
    %get3A_326 = arith.constant 48 : index
    %get3A_327 = tpu.vector_load %arg22[%get3A_325, %get3A_326] {strides = array<i32>} : memref<10x64xf32, #tpu.memory_space<vmem>>, vector<16xf32>,
    %get3A_328 = arith.constant 9 : i32
    %get3A_329 = arith.index_cast %get3A_328 : i32 to index
    %get3A_330 = arith.constant 0 : index
    %get3A_331 = tpu.vector_load %arg22[%get3A_329, %get3A_330] {strides = array<i32>} : memref<10x64xf32, #tpu.memory_space<vmem>>, vector<16xf32>,
    %get3A_332 = arith.constant 9 : i32
    %get3A_333 = arith.index_cast %get3A_332 : i32 to index
    %get3A_334 = arith.constant 16 : index
    %get3A_335 = tpu.vector_load %arg22[%get3A_333, %get3A_334] {strides = array<i32>} : memref<10x64xf32, #tpu.memory_space<vmem>>, vector<16xf32>,
    %get3A_336 = arith.constant 9 : i32
    %get3A_337 = arith.index_cast %get3A_336 : i32 to index
    %get3A_338 = arith.constant 32 : index
    %get3A_339 = tpu.vector_load %arg22[%get3A_337, %get3A_338] {strides = array<i32>} : memref<10x64xf32, #tpu.memory_space<vmem>>, vector<16xf32>,
    %get3A_340 = arith.constant 9 : i32
    %get3A_341 = arith.index_cast %get3A_340 : i32 to index
    %get3A_342 = arith.constant 48 : index
    %get3A_343 = tpu.vector_load %arg22[%get3A_341, %get3A_342] {strides = array<i32>} : memref<10x64xf32, #tpu.memory_space<vmem>>, vector<16xf32>,
    %get3A_344 = arith.constant 0 : index
    %get3A_345 = tpu.vector_load %arg24[%get3A_344] {strides = array<i32>} : memref<64xf32, #tpu.memory_space<vmem>>, vector<16xf32>,
    %get3A_346 = arith.constant 16 : index
    %get3A_347 = tpu.vector_load %arg24[%get3A_346] {strides = array<i32>} : memref<64xf32, #tpu.memory_space<vmem>>, vector<16xf32>,
    %get3A_348 = arith.constant 32 : index
    %get3A_349 = tpu.vector_load %arg24[%get3A_348] {strides = array<i32>} : memref<64xf32, #tpu.memory_space<vmem>>, vector<16xf32>,
    %get3A_350 = arith.constant 48 : index
    %get3A_351 = tpu.vector_load %arg24[%get3A_350] {strides = array<i32>} : memref<64xf32, #tpu.memory_space<vmem>>, vector<16xf32>,
    %iota3A_352 = tpu.iota {dimensions = array<i32: 0>} : vector<16xi32>
    %parallel_loop3A_353 = arith.constant 0 : i32
    %parallel_loop3A_354 = arith.constant 512 : i32
    %parallel_loop3A_355 = arith.constant 1 : i32
    scf.for %parallel_loop3A_356 = %parallel_loop3A_353 to %parallel_loop3A_354 step %parallel_loop3A_355  : i32 {
      %parallel_loop3A_357 = vector.broadcast %parallel_loop3A_356 : i32 to vector<16xi32>
      %parallel_loop3A_358 = tpu.vector_load_idx %arg15[%parallel_loop3A_357] : memref<512xi32, #tpu.memory_space<vmem>>[vector<16xi32>], vector<16xi32>,
      %parallel_loop3A_359 = arith.constant 0 : i32
      %parallel_loop3A_360 = vector.broadcast %parallel_loop3A_359 : i32 to vector<16xi32>
      %parallel_loop3A_361 = arith.addi %iota3A_352, %parallel_loop3A_360 : vector<16xi32>
      %parallel_loop3A_362 = tpu.vector_load_idx %arg18[%parallel_loop3A_358, %parallel_loop3A_361] : memref<32x64xf32, #tpu.memory_space<vmem>>[vector<16xi32>, vector<16xi32>], vector<16xf32>,
      %parallel_loop3A_363 = arith.index_cast %parallel_loop3A_356 : i32 to index
      %parallel_loop3A_364 = arith.constant 0 : index
      %parallel_loop3A_365 = tpu.vector_load %arg20[%parallel_loop3A_363, %parallel_loop3A_364] {strides = array<i32>} : memref<512x128xf32, #tpu.memory_space<vmem>>, vector<16xf32>,
      tpu.vector_store %arg20[%parallel_loop3A_363, %parallel_loop3A_364], %parallel_loop3A_362 {strides = array<i32>} : memref<512x128xf32, #tpu.memory_space<vmem>>, vector<16xf32>,
      %parallel_loop3A_366 = arith.constant 16 : i32
      %parallel_loop3A_367 = vector.broadcast %parallel_loop3A_366 : i32 to vector<16xi32>
      %parallel_loop3A_368 = arith.addi %iota3A_352, %parallel_loop3A_367 : vector<16xi32>
      %parallel_loop3A_369 = tpu.vector_load_idx %arg18[%parallel_loop3A_358, %parallel_loop3A_368] : memref<32x64xf32, #tpu.memory_space<vmem>>[vector<16xi32>, vector<16xi32>], vector<16xf32>,
      %parallel_loop3A_370 = arith.index_cast %parallel_loop3A_356 : i32 to index
      %parallel_loop3A_371 = arith.constant 16 : index
      %parallel_loop3A_372 = tpu.vector_load %arg20[%parallel_loop3A_370, %parallel_loop3A_371] {strides = array<i32>} : memref<512x128xf32, #tpu.memory_space<vmem>>, vector<16xf32>,
      tpu.vector_store %arg20[%parallel_loop3A_370, %parallel_loop3A_371], %parallel_loop3A_369 {strides = array<i32>} : memref<512x128xf32, #tpu.memory_space<vmem>>, vector<16xf32>,
      %parallel_loop3A_373 = arith.constant 32 : i32
      %parallel_loop3A_374 = vector.broadcast %parallel_loop3A_373 : i32 to vector<16xi32>
      %parallel_loop3A_375 = arith.addi %iota3A_352, %parallel_loop3A_374 : vector<16xi32>
      %parallel_loop3A_376 = tpu.vector_load_idx %arg18[%parallel_loop3A_358, %parallel_loop3A_375] : memref<32x64xf32, #tpu.memory_space<vmem>>[vector<16xi32>, vector<16xi32>], vector<16xf32>,
      %parallel_loop3A_377 = arith.index_cast %parallel_loop3A_356 : i32 to index
      %parallel_loop3A_378 = arith.constant 32 : index
      %parallel_loop3A_379 = tpu.vector_load %arg20[%parallel_loop3A_377, %parallel_loop3A_378] {strides = array<i32>} : memref<512x128xf32, #tpu.memory_space<vmem>>, vector<16xf32>,
      tpu.vector_store %arg20[%parallel_loop3A_377, %parallel_loop3A_378], %parallel_loop3A_376 {strides = array<i32>} : memref<512x128xf32, #tpu.memory_space<vmem>>, vector<16xf32>,
      %parallel_loop3A_380 = arith.constant 48 : i32
      %parallel_loop3A_381 = vector.broadcast %parallel_loop3A_380 : i32 to vector<16xi32>
      %parallel_loop3A_382 = arith.addi %iota3A_352, %parallel_loop3A_381 : vector<16xi32>
      %parallel_loop3A_383 = tpu.vector_load_idx %arg18[%parallel_loop3A_358, %parallel_loop3A_382] : memref<32x64xf32, #tpu.memory_space<vmem>>[vector<16xi32>, vector<16xi32>], vector<16xf32>,
      %parallel_loop3A_384 = arith.index_cast %parallel_loop3A_356 : i32 to index
      %parallel_loop3A_385 = arith.constant 48 : index
      %parallel_loop3A_386 = tpu.vector_load %arg20[%parallel_loop3A_384, %parallel_loop3A_385] {strides = array<i32>} : memref<512x128xf32, #tpu.memory_space<vmem>>, vector<16xf32>,
      tpu.vector_store %arg20[%parallel_loop3A_384, %parallel_loop3A_385], %parallel_loop3A_383 {strides = array<i32>} : memref<512x128xf32, #tpu.memory_space<vmem>>, vector<16xf32>,
      %parallel_loop3A_387 = arith.constant 10 : i32
      %parallel_loop3A_388 = vector.broadcast %parallel_loop3A_387 : i32 to vector<16xi32>
      %parallel_loop3A_389 = tpu.vector_load_idx %arg19[%parallel_loop3A_357, %parallel_loop3A_388] : memref<512x32xf32, #tpu.memory_space<vmem>>[vector<16xi32>, vector<16xi32>], vector<16xf32>,
      %parallel_loop3A_390 = arith.mulf %parallel_loop3A_389, %get3A_187 : vector<16xf32>
      %parallel_loop3A_391 = arith.addf %get3A_345, %parallel_loop3A_390 : vector<16xf32>
      %parallel_loop3A_392 = arith.mulf %parallel_loop3A_389, %get3A_191 : vector<16xf32>
      %parallel_loop3A_393 = arith.addf %get3A_347, %parallel_loop3A_392 : vector<16xf32>
      %parallel_loop3A_394 = arith.mulf %parallel_loop3A_389, %get3A_195 : vector<16xf32>
      %parallel_loop3A_395 = arith.addf %get3A_349, %parallel_loop3A_394 : vector<16xf32>
      %parallel_loop3A_396 = arith.mulf %parallel_loop3A_389, %get3A_199 : vector<16xf32>
      %parallel_loop3A_397 = arith.addf %get3A_351, %parallel_loop3A_396 : vector<16xf32>
      %parallel_loop3A_398 = arith.constant 11 : i32
      %parallel_loop3A_399 = vector.broadcast %parallel_loop3A_398 : i32 to vector<16xi32>
      %parallel_loop3A_400 = tpu.vector_load_idx %arg19[%parallel_loop3A_357, %parallel_loop3A_399] : memref<512x32xf32, #tpu.memory_space<vmem>>[vector<16xi32>, vector<16xi32>], vector<16xf32>,
      %parallel_loop3A_401 = arith.mulf %parallel_loop3A_400, %get3A_203 : vector<16xf32>
      %parallel_loop3A_402 = arith.addf %parallel_loop3A_391, %parallel_loop3A_401 : vector<16xf32>
      %parallel_loop3A_403 = arith.mulf %parallel_loop3A_400, %get3A_207 : vector<16xf32>
      %parallel_loop3A_404 = arith.addf %parallel_loop3A_393, %parallel_loop3A_403 : vector<16xf32>
      %parallel_loop3A_405 = arith.mulf %parallel_loop3A_400, %get3A_211 : vector<16xf32>
      %parallel_loop3A_406 = arith.addf %parallel_loop3A_395, %parallel_loop3A_405 : vector<16xf32>
      %parallel_loop3A_407 = arith.mulf %parallel_loop3A_400, %get3A_215 : vector<16xf32>
      %parallel_loop3A_408 = arith.addf %parallel_loop3A_397, %parallel_loop3A_407 : vector<16xf32>
      %parallel_loop3A_409 = arith.constant 12 : i32
      %parallel_loop3A_410 = vector.broadcast %parallel_loop3A_409 : i32 to vector<16xi32>
      %parallel_loop3A_411 = tpu.vector_load_idx %arg19[%parallel_loop3A_357, %parallel_loop3A_410] : memref<512x32xf32, #tpu.memory_space<vmem>>[vector<16xi32>, vector<16xi32>], vector<16xf32>,
      %parallel_loop3A_412 = arith.mulf %parallel_loop3A_411, %get3A_219 : vector<16xf32>
      %parallel_loop3A_413 = arith.addf %parallel_loop3A_402, %parallel_loop3A_412 : vector<16xf32>
      %parallel_loop3A_414 = arith.mulf %parallel_loop3A_411, %get3A_223 : vector<16xf32>
      %parallel_loop3A_415 = arith.addf %parallel_loop3A_404, %parallel_loop3A_414 : vector<16xf32>
      %parallel_loop3A_416 = arith.mulf %parallel_loop3A_411, %get3A_227 : vector<16xf32>
      %parallel_loop3A_417 = arith.addf %parallel_loop3A_406, %parallel_loop3A_416 : vector<16xf32>
      %parallel_loop3A_418 = arith.mulf %parallel_loop3A_411, %get3A_231 : vector<16xf32>
      %parallel_loop3A_419 = arith.addf %parallel_loop3A_408, %parallel_loop3A_418 : vector<16xf32>
      %parallel_loop3A_420 = arith.constant 13 : i32
      %parallel_loop3A_421 = vector.broadcast %parallel_loop3A_420 : i32 to vector<16xi32>
      %parallel_loop3A_422 = tpu.vector_load_idx %arg19[%parallel_loop3A_357, %parallel_loop3A_421] : memref<512x32xf32, #tpu.memory_space<vmem>>[vector<16xi32>, vector<16xi32>], vector<16xf32>,
      %parallel_loop3A_423 = arith.mulf %parallel_loop3A_422, %get3A_235 : vector<16xf32>
      %parallel_loop3A_424 = arith.addf %parallel_loop3A_413, %parallel_loop3A_423 : vector<16xf32>
      %parallel_loop3A_425 = arith.mulf %parallel_loop3A_422, %get3A_239 : vector<16xf32>
      %parallel_loop3A_426 = arith.addf %parallel_loop3A_415, %parallel_loop3A_425 : vector<16xf32>
      %parallel_loop3A_427 = arith.mulf %parallel_loop3A_422, %get3A_243 : vector<16xf32>
      %parallel_loop3A_428 = arith.addf %parallel_loop3A_417, %parallel_loop3A_427 : vector<16xf32>
      %parallel_loop3A_429 = arith.mulf %parallel_loop3A_422, %get3A_247 : vector<16xf32>
      %parallel_loop3A_430 = arith.addf %parallel_loop3A_419, %parallel_loop3A_429 : vector<16xf32>
      %parallel_loop3A_431 = arith.constant 14 : i32
      %parallel_loop3A_432 = vector.broadcast %parallel_loop3A_431 : i32 to vector<16xi32>
      %parallel_loop3A_433 = tpu.vector_load_idx %arg19[%parallel_loop3A_357, %parallel_loop3A_432] : memref<512x32xf32, #tpu.memory_space<vmem>>[vector<16xi32>, vector<16xi32>], vector<16xf32>,
      %parallel_loop3A_434 = arith.mulf %parallel_loop3A_433, %get3A_251 : vector<16xf32>
      %parallel_loop3A_435 = arith.addf %parallel_loop3A_424, %parallel_loop3A_434 : vector<16xf32>
      %parallel_loop3A_436 = arith.mulf %parallel_loop3A_433, %get3A_255 : vector<16xf32>
      %parallel_loop3A_437 = arith.addf %parallel_loop3A_426, %parallel_loop3A_436 : vector<16xf32>
      %parallel_loop3A_438 = arith.mulf %parallel_loop3A_433, %get3A_259 : vector<16xf32>
      %parallel_loop3A_439 = arith.addf %parallel_loop3A_428, %parallel_loop3A_438 : vector<16xf32>
      %parallel_loop3A_440 = arith.mulf %parallel_loop3A_433, %get3A_263 : vector<16xf32>
      %parallel_loop3A_441 = arith.addf %parallel_loop3A_430, %parallel_loop3A_440 : vector<16xf32>
      %parallel_loop3A_442 = arith.constant 15 : i32
      %parallel_loop3A_443 = vector.broadcast %parallel_loop3A_442 : i32 to vector<16xi32>
      %parallel_loop3A_444 = tpu.vector_load_idx %arg19[%parallel_loop3A_357, %parallel_loop3A_443] : memref<512x32xf32, #tpu.memory_space<vmem>>[vector<16xi32>, vector<16xi32>], vector<16xf32>,
      %parallel_loop3A_445 = arith.mulf %parallel_loop3A_444, %get3A_267 : vector<16xf32>
      %parallel_loop3A_446 = arith.addf %parallel_loop3A_435, %parallel_loop3A_445 : vector<16xf32>
      %parallel_loop3A_447 = arith.mulf %parallel_loop3A_444, %get3A_271 : vector<16xf32>
      %parallel_loop3A_448 = arith.addf %parallel_loop3A_437, %parallel_loop3A_447 : vector<16xf32>
      %parallel_loop3A_449 = arith.mulf %parallel_loop3A_444, %get3A_275 : vector<16xf32>
      %parallel_loop3A_450 = arith.addf %parallel_loop3A_439, %parallel_loop3A_449 : vector<16xf32>
      %parallel_loop3A_451 = arith.mulf %parallel_loop3A_444, %get3A_279 : vector<16xf32>
      %parallel_loop3A_452 = arith.addf %parallel_loop3A_441, %parallel_loop3A_451 : vector<16xf32>
      %parallel_loop3A_453 = arith.constant 16 : i32
      %parallel_loop3A_454 = vector.broadcast %parallel_loop3A_453 : i32 to vector<16xi32>
      %parallel_loop3A_455 = tpu.vector_load_idx %arg19[%parallel_loop3A_357, %parallel_loop3A_454] : memref<512x32xf32, #tpu.memory_space<vmem>>[vector<16xi32>, vector<16xi32>], vector<16xf32>,
      %parallel_loop3A_456 = arith.mulf %parallel_loop3A_455, %get3A_283 : vector<16xf32>
      %parallel_loop3A_457 = arith.addf %parallel_loop3A_446, %parallel_loop3A_456 : vector<16xf32>
      %parallel_loop3A_458 = arith.mulf %parallel_loop3A_455, %get3A_287 : vector<16xf32>
      %parallel_loop3A_459 = arith.addf %parallel_loop3A_448, %parallel_loop3A_458 : vector<16xf32>
      %parallel_loop3A_460 = arith.mulf %parallel_loop3A_455, %get3A_291 : vector<16xf32>
      %parallel_loop3A_461 = arith.addf %parallel_loop3A_450, %parallel_loop3A_460 : vector<16xf32>
      %parallel_loop3A_462 = arith.mulf %parallel_loop3A_455, %get3A_295 : vector<16xf32>
      %parallel_loop3A_463 = arith.addf %parallel_loop3A_452, %parallel_loop3A_462 : vector<16xf32>
      %parallel_loop3A_464 = arith.constant 17 : i32
      %parallel_loop3A_465 = vector.broadcast %parallel_loop3A_464 : i32 to vector<16xi32>
      %parallel_loop3A_466 = tpu.vector_load_idx %arg19[%parallel_loop3A_357, %parallel_loop3A_465] : memref<512x32xf32, #tpu.memory_space<vmem>>[vector<16xi32>, vector<16xi32>], vector<16xf32>,
      %parallel_loop3A_467 = arith.mulf %parallel_loop3A_466, %get3A_299 : vector<16xf32>
      %parallel_loop3A_468 = arith.addf %parallel_loop3A_457, %parallel_loop3A_467 : vector<16xf32>
      %parallel_loop3A_469 = arith.mulf %parallel_loop3A_466, %get3A_303 : vector<16xf32>
      %parallel_loop3A_470 = arith.addf %parallel_loop3A_459, %parallel_loop3A_469 : vector<16xf32>
      %parallel_loop3A_471 = arith.mulf %parallel_loop3A_466, %get3A_307 : vector<16xf32>
      %parallel_loop3A_472 = arith.addf %parallel_loop3A_461, %parallel_loop3A_471 : vector<16xf32>
      %parallel_loop3A_473 = arith.mulf %parallel_loop3A_466, %get3A_311 : vector<16xf32>
      %parallel_loop3A_474 = arith.addf %parallel_loop3A_463, %parallel_loop3A_473 : vector<16xf32>
      %parallel_loop3A_475 = arith.constant 18 : i32
      %parallel_loop3A_476 = vector.broadcast %parallel_loop3A_475 : i32 to vector<16xi32>
      %parallel_loop3A_477 = tpu.vector_load_idx %arg19[%parallel_loop3A_357, %parallel_loop3A_476] : memref<512x32xf32, #tpu.memory_space<vmem>>[vector<16xi32>, vector<16xi32>], vector<16xf32>,
      %parallel_loop3A_478 = arith.mulf %parallel_loop3A_477, %get3A_315 : vector<16xf32>
      %parallel_loop3A_479 = arith.addf %parallel_loop3A_468, %parallel_loop3A_478 : vector<16xf32>
      %parallel_loop3A_480 = arith.mulf %parallel_loop3A_477, %get3A_319 : vector<16xf32>
      %parallel_loop3A_481 = arith.addf %parallel_loop3A_470, %parallel_loop3A_480 : vector<16xf32>
      %parallel_loop3A_482 = arith.mulf %parallel_loop3A_477, %get3A_323 : vector<16xf32>
      %parallel_loop3A_483 = arith.addf %parallel_loop3A_472, %parallel_loop3A_482 : vector<16xf32>
      %parallel_loop3A_484 = arith.mulf %parallel_loop3A_477, %get3A_327 : vector<16xf32>
      %parallel_loop3A_485 = arith.addf %parallel_loop3A_474, %parallel_loop3A_484 : vector<16xf32>
      %parallel_loop3A_486 = arith.constant 19 : i32
      %parallel_loop3A_487 = vector.broadcast %parallel_loop3A_486 : i32 to vector<16xi32>
      %parallel_loop3A_488 = tpu.vector_load_idx %arg19[%parallel_loop3A_357, %parallel_loop3A_487] : memref<512x32xf32, #tpu.memory_space<vmem>>[vector<16xi32>, vector<16xi32>], vector<16xf32>,
      %parallel_loop3A_489 = arith.mulf %parallel_loop3A_488, %get3A_331 : vector<16xf32>
      %parallel_loop3A_490 = arith.addf %parallel_loop3A_479, %parallel_loop3A_489 : vector<16xf32>
      %parallel_loop3A_491 = arith.mulf %parallel_loop3A_488, %get3A_335 : vector<16xf32>
      %parallel_loop3A_492 = arith.addf %parallel_loop3A_481, %parallel_loop3A_491 : vector<16xf32>
      %parallel_loop3A_493 = arith.mulf %parallel_loop3A_488, %get3A_339 : vector<16xf32>
      %parallel_loop3A_494 = arith.addf %parallel_loop3A_483, %parallel_loop3A_493 : vector<16xf32>
      %parallel_loop3A_495 = arith.mulf %parallel_loop3A_488, %get3A_343 : vector<16xf32>
      %parallel_loop3A_496 = arith.addf %parallel_loop3A_485, %parallel_loop3A_495 : vector<16xf32>
      %parallel_loop3A_497 = arith.index_cast %parallel_loop3A_356 : i32 to index
      %parallel_loop3A_498 = arith.constant 64 : index
      %parallel_loop3A_499 = tpu.vector_load %arg20[%parallel_loop3A_497, %parallel_loop3A_498] {strides = array<i32>} : memref<512x128xf32, #tpu.memory_space<vmem>>, vector<16xf32>,
      tpu.vector_store %arg20[%parallel_loop3A_497, %parallel_loop3A_498], %parallel_loop3A_490 {strides = array<i32>} : memref<512x128xf32, #tpu.memory_space<vmem>>, vector<16xf32>,
      %parallel_loop3A_500 = arith.index_cast %parallel_loop3A_356 : i32 to index
      %parallel_loop3A_501 = arith.constant 80 : index
      %parallel_loop3A_502 = tpu.vector_load %arg20[%parallel_loop3A_500, %parallel_loop3A_501] {strides = array<i32>} : memref<512x128xf32, #tpu.memory_space<vmem>>, vector<16xf32>,
      tpu.vector_store %arg20[%parallel_loop3A_500, %parallel_loop3A_501], %parallel_loop3A_492 {strides = array<i32>} : memref<512x128xf32, #tpu.memory_space<vmem>>, vector<16xf32>,
      %parallel_loop3A_503 = arith.index_cast %parallel_loop3A_356 : i32 to index
      %parallel_loop3A_504 = arith.constant 96 : index
      %parallel_loop3A_505 = tpu.vector_load %arg20[%parallel_loop3A_503, %parallel_loop3A_504] {strides = array<i32>} : memref<512x128xf32, #tpu.memory_space<vmem>>, vector<16xf32>,
      tpu.vector_store %arg20[%parallel_loop3A_503, %parallel_loop3A_504], %parallel_loop3A_494 {strides = array<i32>} : memref<512x128xf32, #tpu.memory_space<vmem>>, vector<16xf32>,
      %parallel_loop3A_506 = arith.index_cast %parallel_loop3A_356 : i32 to index
      %parallel_loop3A_507 = arith.constant 112 : index
      %parallel_loop3A_508 = tpu.vector_load %arg20[%parallel_loop3A_506, %parallel_loop3A_507] {strides = array<i32>} : memref<512x128xf32, #tpu.memory_space<vmem>>, vector<16xf32>,
      tpu.vector_store %arg20[%parallel_loop3A_506, %parallel_loop3A_507], %parallel_loop3A_496 {strides = array<i32>} : memref<512x128xf32, #tpu.memory_space<vmem>>, vector<16xf32>,
    } {sc.loop_unroll_factor = 2 : i64, sc.parallel_access}
    "tpu.region"() ({
      %run_scoped3A = tpu.sem_alloc : memref<!tpu.dma_semaphore, #tpu.memory_space<semaphore_mem>>
      %dma_start3A_356 = arith.constant 0 : i32
      %dma_start3A_357 = tpu.memref_slice %arg13[%mul3A_2, %dma_start3A_356] : memref<16384x128xf32, #tpu.memory_space<hbm>> -> memref<512x128xf32, #tpu.memory_space<hbm>>
      %dma_start3A_358 = arith.constant 0 : i32
      %dma_start3A_359 = tpu.memref_slice %arg13[%mul3A_2, %dma_start3A_358] : memref<16384x128xf32, #tpu.memory_space<hbm>> -> memref<512x128xf32, #tpu.memory_space<hbm>>
      tpu.enqueue_dma source(%arg20 : memref<512x128xf32, #tpu.memory_space<vmem>>) target(%dma_start3A_359 : memref<512x128xf32, #tpu.memory_space<hbm>>) target_semaphore(%run_scoped3A : memref<!tpu.dma_semaphore, #tpu.memory_space<semaphore_mem>>)
      %dma_wait3A_360 = arith.constant 0 : i32
      %dma_wait3A_361 = tpu.memref_slice %arg13[%mul3A_2, %dma_wait3A_360] : memref<16384x128xf32, #tpu.memory_space<hbm>> -> memref<512x128xf32, #tpu.memory_space<hbm>>
      %dma_wait3A_362 = arith.constant 0 : i32
      %dma_wait3A_363 = tpu.memref_slice %arg13[%mul3A_2, %dma_wait3A_362] : memref<16384x128xf32, #tpu.memory_space<hbm>> -> memref<512x128xf32, #tpu.memory_space<hbm>>
      tpu.wait_dma2 semaphore(%run_scoped3A : memref<!tpu.dma_semaphore, #tpu.memory_space<semaphore_mem>>) src(%arg20 : memref<512x128xf32, #tpu.memory_space<vmem>>) dst(%dma_wait3A_363 : memref<512x128xf32, #tpu.memory_space<hbm>>)
      tpu.yield
    }) : () -> ()
    return
  }
}

</mosaic_0001>

<sc_bundles>
// kernel: kernel.3.cloned.1.call-start
scs
__scs_entry_jumppad:
0x0: {  	(pc) =	sbr.rel $0x88, $3  }
0x1: {  	(tag) =	ssettag $0x0;
	lr =	simm.s32 $0x1  }
0x2: {  	[smem:$0x3F96] =	sst lr;
	_ =	strace $0xD0000000  }
0x3: {  	_ = 	snop  }
0x4: {  	_ = 	snop  }
0x5: {  	_ = 	snop  }
0x6: {  	_ = 	snop  }
0x7: {  	_ = 	snop  }
__scs_overlays_trampoline_lowered:
0x8: {  	[smem:$0x3FA5] =	sst s0  }
0x9: {  	[smem:$0x3FA6] =	sst s1  }
0xa: {  	[smem:$0x3FA7] =	sst s2  }
0xb: {  	[smem:$0x3FA8] =	sst s3  }
0xc: {  	[smem:$0x3FA9] =	sst s4  }
0xd: {  	[smem:$0x3FAA] =	sst s5  }
0xe: {  	[smem:$0x3FAB] =	sst s6  }
0xf: {  	[smem:$0x3FAC] =	sst s7  }
0x10: {  	[smem:$0x3FAD] =	sst s8  }
0x11: {  	[smem:$0x3FAE] =	sst s9;
	s0 =	simm.s32 @!p0 $0x0  }
0x12: {  	s1 =	sld [smem:$0x3F94];
	s0 =	simm.s32 @p0 $0x1  }
0x13: {  	[smem:$0x3FAF] =	sst s0;
	s0 =	simm.s32 @!p1 $0x0  }
0x14: {  	s2 =	sld [smem:$0x3F93];
	s0 =	simm.s32 @p1 $0x1  }
0x15: {  	[smem:$0x3FB0] =	sst s0;
	s0 =	simm.s32 @!p2 $0x0  }
0x16: {  	s3 =	sld [smem:$0x3FDB];
	s0 =	simm.s32 @p2 $0x1  }
0x17: {  	s4 =	simm.s32 $0x1BF5;
	[smem:$0x3FB2] =	sst s0  }
0x18: {  	s0 =	sld [smem:$0x3F95];
	_ =	swait.ge [sflag:s4], $0x0  }
0x19: {  	s7 =	sld [smem:$0x3F96]  }
0x1a: {  	s8 =	sadd.s32 $0xFFFFE003, lr  }
0x1b: {  	s9 =	sadd.s32 $0xFFFFFEF7, lr;
	s5 =	simm.s32 $0xFFFFFFFF;
	p2 =	slt.u32 s8, $0xFFFFF086  }
0x1c: {  	p1 =	slt.u32 s9, $0xF7A;
	s5 =	simm.s32 @!p2 $0x0  }
0x1d: {  	s5 =	simm.s32 @p1 $0x1;
	p0 =	seq.s32 s7, s2  }
0x1e: {  	s7 =	smul.u32 @!p0 $0xF7A, s2;
	p2 =	seq.s32 @!p0 s5, $0x0  }
0x1f: {  	s9 =	smul.u32 $0xF7A, s1;
	s8 =	simm.s32 @!p0 $0x1BF5;
	p2 =	por !p2, p0  }
0x20: {  	[sflag:s8] =	ssyncset.s32 @!p0 $0xFFFFF086;
	s6 =	sadd.s32 @!p0 s3, s7;
	s7 =	simm.s32 @!p0 $0x108  }
0x21: {  	s3 =	sadd.s32 s3, s9;
	s6 =	sadd.s32 @!p0 $0x88, s6;
	s7 =	simm.s32 @p2 $0x1082  }
0x22: {  	[simem:s7], [sflag:s8] =	dma.local @!p0 [hbm:s6], $0xF7A  }
0x23: {  	s9 =	sor.u32 $0xD0000000, s2;
	s6 =	simm.s32 $0x108;
	_ =	swait.ge @!p0 [sflag:s8], $0x0  }
0x24: {  	s3 =	sadd.s32 $0x88, s3;
	s6 =	simm.s32 @!p1 $0x1082;
	[sflag:s4] =	ssyncset.s32 $0xFFFFF086  }
0x25: {  	[simem:s6], [sflag:s4] =	dma.local [hbm:s3], $0xF7A  }
0x26: {  	[smem:$0x3F96] =	sst s1;
	(tag) =	ssettag s2;
	_ =	strace s9  }
0x27: {  	s1 =	sld [smem:$0x3FA6]  }
0x28: {  	s2 =	sld [smem:$0x3FA7]  }
0x29: {  	s4 =	sld [smem:$0x3FA9]  }
0x2a: {  	p0 =	seq.s32 s5, $0x0;
	s5 =	sld [smem:$0x3FAA]  }
0x2b: {  	s6 =	sld [smem:$0x3FAB]  }
0x2c: {  	s7 =	sld [smem:$0x3FAC]  }
0x2d: {  	s3 =	simm.s32 $0x108;
	s8 =	sld [smem:$0x3FAD]  }
0x2e: {  	s3 =	simm.s32 @!p0 $0x1082;
	s9 =	sld [smem:$0x3FAE]  }
0x2f: {  	lr =	sadd.s32 s0, s3;
	s0 =	sld [smem:$0x3FA5]  }
0x30: {  	s3 =	sld [smem:$0x3FA8]  }
0x31: {  	[smem:$0x3FB1] =	sst s10  }
0x32: {  	s10 =	sld [smem:$0x3FAF];
	_ =	sdelay $0x3  }
0x33: {  	p0 =	seq.s32 s10, $0x1;
	s10 =	sld [smem:$0x3FB1];
	_ =	sdelay $0x3  }
0x34: {  	[smem:$0x3FB1] =	sst s10  }
0x35: {  	s10 =	sld [smem:$0x3FB0];
	_ =	sdelay $0x3  }
0x36: {  	p1 =	seq.s32 s10, $0x1;
	s10 =	sld [smem:$0x3FB1];
	_ =	sdelay $0x3  }
0x37: {  	[smem:$0x3FB1] =	sst s10  }
0x38: {  	s10 =	sld [smem:$0x3FB2]  }
0x39: {  	_ = 	snop;
	(pc) =	sbr.ind lr, $3  }
0x3a: {  	_ = 	snop  }
0x3b: {  	_ = 	snop  }
0x3c: {  	p2 =	seq.s32 s10, $0x1;
	s10 =	sld [smem:$0x3FB1]  }
0x3d: {  	_ =	shalt  }
0x3e: {  	_ =	shalt  }
0x3f: {  	_ =	shalt  }
0x40: {  	_ =	shalt  }
0x41: {  	_ =	shalt  }
0x42: {  	_ =	shalt  }
0x43: {  	_ =	shalt  }
0x44: {  	_ =	shalt  }
0x45: {  	_ =	shalt  }
0x46: {  	_ =	shalt  }
0x47: {  	_ =	shalt  }
0x48: {  	_ =	shalt  }
0x49: {  	_ =	shalt  }
0x4a: {  	_ =	shalt  }
0x4b: {  	_ =	shalt  }
0x4c: {  	_ =	shalt  }
0x4d: {  	_ =	shalt  }
0x4e: {  	_ =	shalt  }
0x4f: {  	_ =	shalt  }
0x50: {  	_ =	shalt  }
0x51: {  	_ =	shalt  }
0x52: {  	_ =	shalt  }
0x53: {  	_ =	shalt  }
0x54: {  	_ =	shalt  }
0x55: {  	_ =	shalt  }
0x56: {  	_ =	shalt  }
0x57: {  	_ =	shalt  }
0x58: {  	_ =	shalt  }
0x59: {  	_ =	shalt  }
0x5a: {  	_ =	shalt  }
0x5b: {  	_ =	shalt  }
0x5c: {  	_ =	shalt  }
0x5d: {  	_ =	shalt  }
0x5e: {  	_ =	shalt  }
0x5f: {  	_ =	shalt  }
0x60: {  	_ =	shalt  }
0x61: {  	_ =	shalt  }
0x62: {  	_ =	shalt  }
0x63: {  	_ =	shalt  }
0x64: {  	_ =	shalt  }
0x65: {  	_ =	shalt  }
0x66: {  	_ =	shalt  }
0x67: {  	_ =	shalt  }
0x68: {  	_ =	shalt  }
0x69: {  	_ =	shalt  }
0x6a: {  	_ =	shalt  }
0x6b: {  	_ =	shalt  }
0x6c: {  	_ =	shalt  }
0x6d: {  	_ =	shalt  }
0x6e: {  	_ =	shalt  }
0x6f: {  	_ =	shalt  }
0x70: {  	_ =	shalt  }
0x71: {  	_ =	shalt  }
0x72: {  	_ =	shalt  }
0x73: {  	_ =	shalt  }
0x74: {  	_ =	shalt  }
0x75: {  	_ =	shalt  }
0x76: {  	_ =	shalt  }
0x77: {  	_ =	shalt  }
0x78: {  	_ =	shalt  }
0x79: {  	_ =	shalt  }
0x7a: {  	_ =	shalt  }
0x7b: {  	_ =	shalt  }
0x7c: {  	_ =	shalt  }
0x7d: {  	_ =	shalt  }
0x7e: {  	_ =	shalt  }
0x7f: {  	_ =	shalt  }
0x80: {  	_ =	shalt  }
0x81: {  	_ =	shalt  }
0x82: {  	_ =	shalt  }
0x83: {  	_ =	shalt  }
0x84: {  	_ =	shalt  }
0x85: {  	_ =	shalt  }
0x86: {  	_ =	shalt  }
0x87: {  	_ =	shalt  }
.Lfunc_end0:
.L_simem_size_0:
called_computation_lowered:
.L_overlay_start_0:
0x88: {  	s2 =	sld [smem:$0x3FD9]  }
0x89: {  	s3 =	sld [smem:$0x3FFE];
	_ =	sdelay $0x1  }
0x8a: {  	s1 =	srdreg.scid  }
0x8b: {  	s0 =	sand.u32 $0x1, s1  }
0x8c: {  	s14 =	sshll.u32 s0, $0xA;
	s2 =	sadd.s32 s3, s2  }
0x8d: {  	s2 =	sadd.s32 s2, s14  }
0x8e: {  	[smem:$0x3FBD] =	sst s2  }
0x8f: {  	_ = 	snop  }
0x90: {  	s2 =	sld [smem:$0x3FC9]  }
0x91: {  	s15 =	sld [smem:$0x3FC8]  }
0x92: {  	s4 =	sld [smem:$0x3FD0]  }
0x93: {  	s5 =	sld [smem:$0x3FC7]  }
0x94: {  	s6 =	sld [smem:$0x3FC1]  }
0x95: {  	s8 =	simm.s32 $0xA;
	s9 =	simm.s32 $0x10;
	s7 =	sld [smem:$0x3FBF]  }
0x96: {  	[smem:s9], [sflag:s8] =	dma.local [hbm:s4], $0x1  }
0x97: {  	_ =	swait.eq [sflag:s8], $0x1  }
0x98: {  	[sflag:s8] =	ssyncset.done $0x0  }
0x99: {  	s16 =	sld [smem:$0x10];
	[sflag:s8] =	ssyncadd.s32 $0xFFFFFFFF  }
0x9a: {  	s17 =	sld [smem:$0x11];
	(tm) =	ssettm $0x1  }
0x9b: {  	s18 =	sld [smem:$0x3FFB];
	_ =	sdelay $0x3  }
0x9c: {  	_ =	strace s18  }
0x9d: {  	s9 =	sld [smem:$0x3FFC];
	_ =	sdelay $0x3  }
0x9e: {  	_ =	strace s9  }
0x9f: {  	s9 =	sld [smem:$0x3FFD];
	_ =	sdelay $0x3  }
0xa0: {  	_ =	strace s9  }
0xa1: {  	_ =	strace $0x8FFFFFFF  }
0xa2: {  	s19 =	sld [smem:$0x3FDB];
	_ =	sdelay $0x1  }
0xa3: {  	s10 =	simm.s32 $_scs_section_size  }
0xa4: {  	s11 =	simm.s32 $_size__tile_overlayer_lowered;
	s12 =	simm.s32 $_tile_overlayer_lowered  }
0xa5: {  	s22 =	simm.s32 $0x1BFF;
	s21 =	sshll.u32 s12, $0x1;
	s9 =	sadd.s32 s10, s19  }
0xa6: {  	s13 =	simm.s32 $0x0;
	s20 =	sshll.u32 s11, $0x1;
	s11 =	sadd.s32 s21, s9  }
0xa7: {  	[timem:s13], [sflag:s22] =	dma.local [hbm:s11], s20  }
0xa8: {  	_ =	swait.ge [sflag:s22], s20  }
0xa9: {  	s10 =	ssub.s32 $0x0, s20;
	[sflag:s22] =	ssyncset.done $0x0  }
0xaa: {  	[sflag:s22] =	ssyncadd.s32 s10;
	_ =	sdelay $0x1  }
0xab: {  	s23 =	simm.s32 $0x1B8B  }
0xac: {  	_ =	swait.ge [sflag:s23], $0x1  }
0xad: {  	[sflag:s23] =	ssyncset.done $0x0  }
0xae: {  	s25 =	simm.s32 $0x1B8E;
	s24 =	sld [smem:$0x3FFE];
	[sflag:s23] =	ssyncadd.s32 $0xFFFFFFFF  }
0xaf: {  	s26 =	simm.s32 $execute0_lowered;
	[smem:$0x3FD2] =	sst s25  }
0xb0: {  	s11 =	sshll.u32 s26, $0x1;
	_ =	strace $0x80000046;
	[dreg:$0x1] =	wrdreg $0xFFFFFFFF  }
0xb1: {  	s28 =	simm.s32 $_size_execute0_lowered;
	s9 =	sadd.s32 s9, s11;
	[dreg:$0x0] =	wrdreg $0x0  }
0xb2: {  	s11 =	sshll.u32 s28, $0x1;
	[dreg:$0x2] =	wrdreg s9  }
0xb3: {  	[dreg:$0x3] =	wrdreg s11  }
0xb4: {  	[dreg:$0x4] =	wrdreg $0xC0  }
0xb5: {  	_ =	task [dreg:s13], $0x5FFFF  }
0xb6: {  	[dreg:$0x1] =	wrdreg $0xFFFFFFFF  }
0xb7: {  	[dreg:$0x0] =	wrdreg $0x60  }
0xb8: {  	[dreg:$0x2] =	wrdreg s2  }
0xb9: {  	[dreg:$0x3] =	wrdreg s15  }
0xba: {  	[dreg:$0x4] =	wrdreg s5  }
0xbb: {  	[dreg:$0x5] =	wrdreg s24  }
0xbc: {  	[dreg:$0x6] =	wrdreg s6  }
0xbd: {  	[dreg:$0x7] =	wrdreg s7  }
0xbe: {  	[dreg:$0x8] =	wrdreg s16  }
0xbf: {  	[dreg:$0x9] =	wrdreg s17  }
0xc0: {  	[dreg:$0xa] =	wrdreg $0x9  }
0xc1: {  	_ =	task.clear_ibuf [dreg:s13], $0xBFFFF;
	_ =	strace $0x90000046  }
0xc2: {  	s29 =	simm.s32 $0x9;
	_ =	strace $0x80000048  }
0xc3: {  	_ =	swait.ge [sflag:s29], $0x1  }
0xc4: {  	[sflag:s29] =	ssyncadd.s32 $0xFFFFFFFF  }
0xc5: {  	_ =	strace $0x90000048  }
0xc6: {  	_ =	sfence  }
0xc7: {  	s30 =	sld [smem:$0x0];
	_ =	sdelay $0x2  }
0xc8: {  	s31 =	sshll.u32 s1, $0xD;
	s1 =	sshrl.u32 s1, $0x2  }
0xc9: {  	s3 =	sand.u32 $0x4000, s31;
	s1 =	sadd.s32 s1, s30  }
0xca: {  	s0 =	sor.u32 s3, s0;
	s1 =	sshll.u32 s1, $0x11  }
0xcb: {  	s0 =	sor.u32 s1, s0  }
0xcc: {  	s0 =	sadd.s32 $0x8F2B, s0  }
0xcd: {  	[sflag:s0] =	ssyncadd.remote.s32 $0x1  }
0xce: {  	_ =	sfence.sel $0xFFFF  }
0xcf: {  	[dreg:$0x0] =	wrdreg $0xFFFFFFFF;
	(pc) =	sbr.abs _section_cstart, $3  }
0xd0: {  	[dreg:$0x1] =	wrdreg $0xFFFFFFFF  }
0xd1: {  	_ =	task.clear_ibuf [dreg:s13], $0x2FFFF;
	_ =	strace $0x9FFFFFFF  }
0xd2: {  	(tm) =	ssettm $0x7FFFFFFF  }
0xd3: {  	_ =	shalt  }
tec
execute0_lowered:
.L_overlay_start_1:
0x0: {  	(tag) =	ssettag $0x1  }
0x1: {  	s0 =	rddreg [dreg:$0x0]  }
0x2: {  	s1 =	rddreg [dreg:$0x3]  }
0x3: {  	s3 =	rddreg [dreg:$0x4]  }
0x4: {  	s4 =	rddreg [dreg:$0x5]  }
0x5: {  	s2 =	rddreg [dreg:$0x6]  }
0x6: {  	s6 =	rddreg [dreg:$0x7];
	s5 =	simm.s32 $0x0;
	s9 =	srdreg.scid  }
0x7: {  	s10 =	stileid.u32;
	s16 =	simm.s32 $0x4;
	s17 =	simm.s32 $0x200  }
0x8: {  	s18 =	simm.s32 $0x400;
	s19 =	simm.s32 $0x600;
	s20 =	simm.s32 $0xE00  }
0x9: {  	s21 =	simm.s32 $0x15600;
	s22 =	simm.s32 $0x15880;
	s23 =	simm.s32 $0x15B00  }
0xa: {  	s24 =	simm.s32 $0x15B40;
	s28 =	simm.s32 $0x1;
	s29 =	simm.s32 $0x3  }
0xb: {  	s30 =	simm.s32 $0x5600;
	s31 =	simm.s32 $0x0;
	[smem:$0x7FF] =	sst s5  }
0xc: {  	s7 =	sadd.s32 $0x1200, s1;
	s8 =	sadd.s32 $0x1000, s1;
	s11 =	sand.u32 $0x1, s9  }
0xd: {  	s9 =	sadd.s32 $0x187A00, s1;
	s12 =	sshll.u32 s10, $0xA;
	s10 =	sadd.s32 $0x1600, s1  }
0xe: {  	v0 =	vlaneseq.u32;
	_ =	strace $0x80000047;
	s13 =	sshll.u32 s11, $0x9;
	s14 =	ssub.s32 $0x2, s11  }
0xf: {  	v1 =	vor.u32 $0x10, v0;
	s11 =	sadd.s32 $0x1400, s1;
	s13 =	sor.u32 s13, s12;
	s25 =	sshrl.u32 s14, $0x1  }
0x10: {  	v63 =	vor.u32 $0x20, v0;
	[tilespmem:$0x1FFD0] =	vst v1;
	s12 =	sshrl.u32 s13, $0x3;
	s1 =	ssub.s32 s14, s25;
	s26 =	sshll.u32 s13, $0x4  }
0x11: {  	v0 =	vor.u32 $0x30, v0;
	[tilespmem:$0x1FFE0] =	vst v63;
	s25 =	simm.s32 $0x2;
	s12 =	sadd.s32 s0, s12;
	s13 =	sadd.s32 s2, s26  }
0x12: {  	[tilespmem:$0x1FFF0] =	vst v0;
	s14 =	sadd.s32 s6, s26;
	s15 =	smax.u32 s1, $0x1;
	s26 =	simm.s32 $0x1600  }
.LBB2_1:
0x13: {  	[tilespmem:s5], [sflag:$0x4] =	stream.linear.gather [hbm4b:s12+s5], $0x200, $0x38;
	[tilespmem:$0x15B80] =	vst v63  }
0x14: {  	_ =	swait.ge [sflag:s16], $0x200  }
0x15: {  	[sflag:s16] =	ssyncset.done $0x0  }
0x16: {  	[sflag:s16] =	ssyncadd.s32 $0xFFFFFE00  }
0x17: {  	s0 =	rddreg [dreg:$0x1]  }
0x18: {  	[tilespmem:s17], [sflag:$0x1] =	stream.indirect.gather [hbm4b:s0+s17], $0x1, s5, s17, $0xb8;
	[tilespmem:$0x15B80] =	vst v63  }
0x19: {  	s1 =	rddreg [dreg:$0x2]  }
0x1a: {  	[tilespmem:s18], [sflag:$0x2] =	stream.indirect.gather [hbm4b:s1+s17], $0x1, s5, s17, $0xb8;
	[tilespmem:$0x15B80] =	vst v63  }
0x1b: {  	_ = 	snop  }
0x1c: {  	[tilespmem:s19], [sflag:$0x3] =	stream.linear.gather [hbm4b:s7+s5], $0x800, $0x38;
	[tilespmem:$0x15B80] =	vst v63  }
0x1d: {  	_ = 	snop  }
0x1e: {  	[tilespmem:s20], [sflag:$0x3] =	stream.linear.gather [hbm4b:s8+s5], $0x800, $0x38;
	[tilespmem:$0x15B80] =	vst v63  }
0x1f: {  	_ = 	snop  }
0x20: {  	[tilespmem:s21], [sflag:$0x3] =	stream.linear.gather [hbm4b:s10+s5], $0x280, $0x38;
	[tilespmem:$0x15B80] =	vst v63  }
0x21: {  	_ = 	snop  }
0x22: {  	[tilespmem:s22], [sflag:$0x3] =	stream.linear.gather [hbm4b:s11+s5], $0x280, $0x38;
	[tilespmem:$0x15B80] =	vst v63  }
0x23: {  	_ = 	snop  }
0x24: {  	[tilespmem:s23], [sflag:$0x3] =	stream.linear.gather [hbm4b:s3+s5], $0x40, $0x38;
	[tilespmem:$0x15B80] =	vst v63  }
0x25: {  	_ = 	snop  }
0x26: {  	[tilespmem:s24], [sflag:$0x3] =	stream.linear.gather [hbm4b:s4+s5], $0x40, $0x38;
	[tilespmem:$0x15B80] =	vst v63  }
0x27: {  	_ =	swait.ge [sflag:s25], $0x200  }
0x28: {  	[sflag:s25] =	ssyncset.done $0x0  }
0x29: {  	[sflag:s25] =	ssyncadd.s32 $0xFFFFFE00  }
0x2a: {  	[tilespmem:s26], [sflag:$0x2] =	stream.indirect.gather [hbm4b:s9+s17], $0x20, s18, s17, $0xb8;
	[tilespmem:$0x15B80] =	vst v63  }
0x2b: {  	_ =	swait.ge [sflag:s28], $0x200  }
0x2c: {  	[sflag:s28] =	ssyncset.done $0x0  }
0x2d: {  	[sflag:s28] =	ssyncadd.s32 $0xFFFFFE00  }
0x2e: {  	_ =	swait.ge [sflag:s29], $0x40  }
0x2f: {  	[sflag:s29] =	ssyncset.done $0x0  }
0x30: {  	[sflag:s29] =	ssyncadd.s32 $0xFFFFFFC0  }
0x31: {  	_ =	swait.ge [sflag:s29], $0x40  }
0x32: {  	[sflag:s29] =	ssyncset.done $0x0  }
0x33: {  	[sflag:s29] =	ssyncadd.s32 $0xFFFFFFC0  }
0x34: {  	_ =	swait.ge [sflag:s29], $0x280  }
0x35: {  	[sflag:s29] =	ssyncset.done $0x0  }
0x36: {  	[sflag:s29] =	ssyncadd.s32 $0xFFFFFD80  }
0x37: {  	_ =	swait.ge [sflag:s29], $0x280  }
0x38: {  	[sflag:s29] =	ssyncset.done $0x0  }
0x39: {  	[sflag:s29] =	ssyncadd.s32 $0xFFFFFD80  }
0x3a: {  	_ =	swait.ge [sflag:s29], $0x800  }
0x3b: {  	[sflag:s29] =	ssyncset.done $0x0  }
0x3c: {  	[sflag:s29] =	ssyncadd.s32 $0xFFFFF800  }
0x3d: {  	_ =	swait.ge [sflag:s29], $0x800  }
0x3e: {  	[sflag:s29] =	ssyncset.done $0x0  }
0x3f: {  	[sflag:s29] =	ssyncadd.s32 $0xFFFFF800  }
0x40: {  	_ =	swait.ge [sflag:s25], $0x4000  }
0x41: {  	[sflag:s25] =	ssyncset.done $0x0  }
0x42: {  	[sflag:s25] =	ssyncadd.s32 $0xFFFFC000  }
0x43: {  	v0 =	vld [tilespmem:$0x15700];
	_ =	sdelay $0x4  }
0x44: {  	[tilespmem:$0x1FE50] =	vst v0;
	v0 =	vld [tilespmem:$0x15710];
	_ =	sdelay $0x4  }
0x45: {  	[tilespmem:$0x1FE60] =	vst v0;
	v0 =	vld [tilespmem:$0x15720];
	_ =	sdelay $0x4  }
0x46: {  	[tilespmem:$0x1FE70] =	vst v0;
	v0 =	vld [tilespmem:$0x15740];
	_ =	sdelay $0x4  }
0x47: {  	[tilespmem:$0x1FE80] =	vst v0;
	v0 =	vld [tilespmem:$0x15750];
	_ =	sdelay $0x4  }
0x48: {  	[tilespmem:$0x1FE90] =	vst v0;
	v0 =	vld [tilespmem:$0x15760];
	_ =	sdelay $0x4  }
0x49: {  	[tilespmem:$0x1FEA0] =	vst v0;
	v0 =	vld [tilespmem:$0x15780];
	_ =	sdelay $0x3  }
0x4a: {  	v1 =	vld [tilespmem:$0x157C0]  }
0x4b: {  	[tilespmem:$0x1FEB0] =	vst v0;
	v0 =	vld [tilespmem:$0x15790];
	_ =	sdelay $0x3  }
0x4c: {  	[tilespmem:$0x1FEE0] =	vst v1;
	v1 =	vld [tilespmem:$0x157D0]  }
0x4d: {  	[tilespmem:$0x1FEC0] =	vst v0;
	v0 =	vld [tilespmem:$0x157A0];
	_ =	sdelay $0x3  }
0x4e: {  	s2 =	simm.s32 $0x1;
	[tilespmem:$0x1FEF0] =	vst v1;
	v1 =	vld [tilespmem:$0x157E0]  }
0x4f: {  	[tilespmem:$0x1FED0] =	vst v0;
	v0 =	vmov s2  }
0x50: {  	v2 =	vld [tilespmem:$0x157F0];
	_ =	sdelay $0x2  }
0x51: {  	[tilespmem:$0x1FF00] =	vst v1  }
0x52: {  	v1 =	vld.idx.msk [tilespmem:v0+s17+$0x0], $0xffff  }
0x53: {  	[tilespmem:$0x1FF10] =	vst v2;
	v2 =	vld [tilespmem:$0x15800];
	_ =	sdelay $0x2  }
0x54: {  	v51 =	vld [tilespmem:$0x1FFD0]  }
0x55: {  	v43 =	vld [tilespmem:$0x15600]  }
0x56: {  	[tilespmem:$0x1FF20] =	vst v2;
	v2 =	vld [tilespmem:$0x15810]  }
0x57: {  	v40 =	vld [tilespmem:$0x15610]  }
0x58: {  	v41 =	vld [tilespmem:$0x15620]  }
0x59: {  	v42 =	vld [tilespmem:$0x15630]  }
0x5a: {  	v39 =	vld [tilespmem:$0x15640]  }
0x5b: {  	[tilespmem:$0x1FF30] =	vst v2;
	v2 =	vld [tilespmem:$0x15820]  }
0x5c: {  	v38 =	vld [tilespmem:$0x15650]  }
0x5d: {  	v36 =	vld [tilespmem:$0x15660]  }
0x5e: {  	v37 =	vld [tilespmem:$0x15670]  }
0x5f: {  	v3 =	vld [tilespmem:$0x15850]  }
0x60: {  	[tilespmem:$0x1FF40] =	vst v2;
	v2 =	vld [tilespmem:$0x15830]  }
0x61: {  	v35 =	vld [tilespmem:$0x15680]  }
0x62: {  	v32 =	vld [tilespmem:$0x15690]  }
0x63: {  	v33 =	vld [tilespmem:$0x156A0]  }
0x64: {  	[tilespmem:$0x1FF70] =	vst v3;
	v3 =	vld [tilespmem:$0x15860]  }
0x65: {  	[tilespmem:$0x1FF50] =	vst v2;
	v2 =	vld [tilespmem:$0x15840]  }
0x66: {  	v34 =	vld [tilespmem:$0x156B0]  }
0x67: {  	v31 =	vld [tilespmem:$0x156C0]  }
0x68: {  	v28 =	vld [tilespmem:$0x156D0]  }
0x69: {  	v21 =	vlaneseq.u32;
	v1 =	vshll.u32 v1, $0x6;
	[tilespmem:$0x1FF80] =	vst v3;
	v3 =	vld [tilespmem:$0x15870]  }
0x6a: {  	v29 =	vld [tilespmem:$0x156E0];
	[tilespmem:$0x1FF60] =	vst v2;
	v2 =	vor.u32 v21, v1  }
0x6b: {  	v30 =	vld [tilespmem:$0x156F0]  }
0x6c: {  	v14 =	vld [tilespmem:$0x15730]  }
0x6d: {  	v19 =	vld [tilespmem:$0x15770]  }
0x6e: {  	v22 =	vld [tilespmem:$0x157B0];
	[tilespmem:$0x1FF90] =	vst v3  }
0x6f: {  	v4 =	vmov s5;
	v2 =	vld.idx.msk [tilespmem:v2+s19+$0x0], $0xffff  }
0x70: {  	v47 =	vld [tilespmem:$0x15B00];
	v3 =	vor.u32 v51, v1  }
0x71: {  	v46 =	vld [tilespmem:$0x15B10]  }
0x72: {  	v45 =	vld [tilespmem:$0x15B20]  }
0x73: {  	s1 =	simm.s32 $0x5680;
	v44 =	vld [tilespmem:$0x15B30]  }
0x74: {  	v5 =	vld.idx.msk [tilespmem:v4+s17+$0x0], $0xffff;
	[tilespmem:s1+$0x0] =	vst v2  }
0x75: {  	v2 =	vld.idx.msk [tilespmem:v3+s19+$0x0], $0xffff  }
0x76: {  	v49 =	vld [tilespmem:$0x1FFE0];
	_ =	sdelay $0x4  }
0x77: {  	v3 =	vshll.u32 v5, $0x6;
	v5 =	vor.u32 v49, v1;
	[tilespmem:s1+$0x10] =	vst v2  }
0x78: {  	v6 =	vor.u32 v21, v3;
	v52 =	vld [tilespmem:$0x1FFF0];
	_ =	sdelay $0x3  }
0x79: {  	v2 =	vld.idx.msk [tilespmem:v5+s19+$0x0], $0xffff  }
0x7a: {  	v5 =	vld.idx.msk [tilespmem:v6+s19+$0x0], $0xffff;
	v1 =	vor.u32 v52, v1  }
0x7b: {  	v6 =	vor.u32 v51, v3;
	_ =	sdelay $0x2  }
0x7c: {  	[tilespmem:s1+$0x20] =	vst v2  }
0x7d: {  	[tilespmem:s1+$0xFFFFFF80] =	vst v5;
	v1 =	vld.idx.msk [tilespmem:v1+s19+$0x0], $0xffff  }
0x7e: {  	v5 =	vshll.u32 v0, $0x5;
	v2 =	vld.idx.msk [tilespmem:v6+s19+$0x0], $0xffff  }
0x7f: {  	v0 =	vor.u32 v49, v3  }
0x80: {  	v6 =	vor.u32 $0x1, v5;
	_ =	sdelay $0x1  }
0x81: {  	[tilespmem:s1+$0x30] =	vst v1;
	v1 =	vor.u32 $0x2, v5  }
0x82: {  	[tilespmem:s1+$0xFFFFFF90] =	vst v2;
	v8 =	vld.idx.msk [tilespmem:v5+s26+$0x0], $0xffff  }
0x83: {  	v2 =	vor.u32 $0x3, v5;
	v0 =	vld.idx.msk [tilespmem:v0+s19+$0x0], $0xffff  }
0x84: {  	v7 =	vor.u32 v52, v3;
	v12 =	vld.idx.msk [tilespmem:v6+s26+$0x0], $0xffff  }
0x85: {  	v6 =	vor.u32 $0x4, v5  }
0x86: {  	v3 =	vld.idx.msk [tilespmem:v1+s26+$0x0], $0xffff  }
0x87: {  	v1 =	vor.u32 $0x5, v5;
	v9 =	vmul.f32 v8, v42  }
0x88: {  	[tilespmem:s1+$0xFFFFFFA0] =	vst v0;
	v0 =	vld.idx.msk [tilespmem:v2+s26+$0x0], $0xffff  }
0x89: {  	s6 =	simm.s32 $0x2;
	v2 =	vld.idx.msk [tilespmem:v7+s19+$0x0], $0xffff;
	v7 =	vadd.f32 v9, v44;
	v9 =	vmul.f32 v12, v37  }
0x8a: {  	v48 =	vmov s6;
	v56 =	vld.idx.msk [tilespmem:v6+s26+$0x0], $0xffff  }
0x8b: {  	v10 =	vshll.u32 v4, $0x5;
	v4 =	vadd.f32 v9, v7;
	v6 =	vmul.f32 v3, v34  }
0x8c: {  	v7 =	vor.u32 $0x1, v10;
	v59 =	vld.idx.msk [tilespmem:v1+s26+$0x0], $0xffff  }
0x8d: {  	v1 =	vor.u32 $0x2, v10;
	v4 =	vadd.f32 v6, v4;
	v6 =	vmul.f32 v0, v30  }
0x8e: {  	v15 =	vor.u32 $0x4, v10;
	v11 =	vmul.f32 v8, v43;
	[tilespmem:s1+$0xFFFFFFB0] =	vst v2  }
0x8f: {  	v13 =	vld.idx.msk [tilespmem:v48+s17+$0x0], $0xffff;
	v9 =	vor.u32 $0x3, v10;
	[tilespmem:$0x1FFA0] =	vst v14;
	v2 =	vadd.f32 v6, v4;
	v4 =	vmul.f32 v56, v14  }
0x90: {  	v18 =	vor.u32 $0x6, v5;
	v11 =	vadd.f32 v11, v47;
	v16 =	vld.idx.msk [tilespmem:v10+s26+$0x0], $0xffff;
	v14 =	vmul.f32 v12, v39  }
0x91: {  	v17 =	vor.u32 $0x5, v10;
	v6 =	vld.idx.msk [tilespmem:v7+s26+$0x0], $0xffff;
	[tilespmem:$0x1FFB0] =	vst v19;
	v19 =	vmul.f32 v59, v19;
	v2 =	vadd.f32 v4, v2  }
0x92: {  	v60 =	vor.u32 $0x9, v10;
	v20 =	vor.u32 $0x8, v10;
	v7 =	vadd.f32 v14, v11;
	v4 =	vld.idx.msk [tilespmem:v1+s26+$0x0], $0xffff  }
0x93: {  	v11 =	vor.u32 $0x6, v10;
	v1 =	vld.idx.msk [tilespmem:v15+s26+$0x0], $0xffff;
	v15 =	vmul.f32 v8, v41;
	v14 =	vadd.f32 v19, v2  }
0x94: {  	v2 =	vld.idx.msk [tilespmem:v9+s26+$0x0], $0xffff;
	v9 =	vor.u32 $0x7, v5;
	v19 =	vor.u32 $0x7, v10;
	v10 =	vshll.u32 v13, $0x6  }
0x95: {  	v61 =	vld.idx.msk [tilespmem:v18+s26+$0x0], $0xffff;
	v13 =	vor.u32 $0x8, v5;
	v50 =	vor.u32 v49, v10;
	v49 =	vor.u32 v52, v10  }
0x96: {  	v62 =	vld.idx.msk [tilespmem:v17+s26+$0x0], $0xffff;
	v63 =	vor.u32 v21, v10;
	v54 =	vor.u32 v51, v10;
	v10 =	vmul.f32 v8, v40  }
0x97: {  	v5 =	vor.u32 $0x9, v5;
	v17 =	vmul.f32 v16, v40;
	v18 =	vmul.f32 v16, v41;
	v52 =	vld.idx.msk [tilespmem:v20+s26+$0x0], $0xffff  }
0x98: {  	v26 =	vmul.f32 v16, v42;
	v58 =	vld.idx.msk [tilespmem:v11+s26+$0x0], $0xffff;
	v11 =	vmul.f32 v16, v43;
	v8 =	vadd.f32 v10, v46  }
0x99: {  	v10 =	vadd.f32 v15, v45;
	v16 =	vmul.f32 v12, v38;
	v15 =	vmul.f32 v12, v36;
	v57 =	vld.idx.msk [tilespmem:v9+s26+$0x0], $0xffff  }
0x9a: {  	v12 =	vadd.f32 v18, v45;
	v18 =	vmul.f32 v6, v38;
	v20 =	vmul.f32 v61, v22;
	v55 =	vld.idx.msk [tilespmem:v19+s26+$0x0], $0xffff  }
0x9b: {  	v9 =	vadd.f32 v11, v47;
	v11 =	vadd.f32 v17, v46;
	v53 =	vld.idx.msk [tilespmem:v13+s26+$0x0], $0xffff;
	v17 =	vmul.f32 v6, v39  }
0x9c: {  	s6 =	simm.s32 $0x5680;
	s0 =	simm.s32 $0x4;
	s2 =	simm.s32 $0x3;
	v13 =	vadd.f32 v26, v44;
	v51 =	vld.idx.msk [tilespmem:v5+s26+$0x0], $0xffff;
	v19 =	vmul.f32 v6, v36;
	[tilespmem:$0x1FFC0] =	vst v22  }
.LBB2_2:
0x9d: {  	v24 =	vld [tilespmem:$0x1FF10];
	_ =	sdelay $0x1  }
0x9e: {  	v23 =	vld [tilespmem:$0x1FF50]  }
0x9f: {  	v5 =	vmov s2;
	v8 =	vadd.f32 v16, v8  }
0xa0: {  	v6 =	vmul.f32 v6, v37;
	v22 =	vld [tilespmem:$0x1FF90];
	v10 =	vadd.f32 v15, v10;
	v14 =	vadd.f32 v20, v14  }
0xa1: {  	v9 =	vadd.f32 v17, v9;
	v11 =	vadd.f32 v18, v11;
	v15 =	vmul.f32 v57, v24  }
0xa2: {  	v16 =	vmul.f32 v3, v35;
	v12 =	vadd.f32 v19, v12;
	v18 =	vmul.f32 v4, v35  }
0xa3: {  	v19 =	vmul.f32 v4, v32;
	v14 =	vadd.f32 v15, v14;
	v15 =	vmul.f32 v53, v23  }
0xa4: {  	v20 =	vmul.f32 v4, v33;
	v4 =	vmul.f32 v4, v34;
	v6 =	vadd.f32 v6, v13  }
0xa5: {  	v13 =	vmul.f32 v3, v32;
	v17 =	vld.idx.msk [tilespmem:v5+s17+$0x0], $0xffff;
	v14 =	vadd.f32 v15, v14;
	v15 =	vmul.f32 v51, v22  }
0xa6: {  	v3 =	vmul.f32 v3, v33;
	v7 =	vadd.f32 v16, v7;
	v9 =	vadd.f32 v18, v9  }
0xa7: {  	v8 =	vadd.f32 v13, v8;
	v13 =	vadd.f32 v15, v14;
	v14 =	vmul.f32 v0, v28  }
0xa8: {  	v11 =	vadd.f32 v19, v11;
	v12 =	vadd.f32 v20, v12;
	v20 =	vlaneseq.u32;
	v18 =	vld [tilespmem:$0x1FE60]  }
0xa9: {  	v3 =	vadd.f32 v3, v10;
	v10 =	vmul.f32 v0, v31;
	v8 =	vadd.f32 v14, v8;
	v14 =	vld [tilespmem:$0x1FE50]  }
0xaa: {  	v4 =	vadd.f32 v4, v6;
	v6 =	vmul.f32 v2, v31;
	[tilespmem:s1+$0x70] =	vst v13;
	v13 =	vshll.u32 v17, $0x6  }
0xab: {  	v27 =	vld [tilespmem:$0x1FFA0];
	v16 =	vmul.f32 v2, v29;
	v15 =	vmul.f32 v2, v28;
	v17 =	vor.u32 v20, v13  }
0xac: {  	v21 =	vld [tilespmem:$0x1FFD0];
	v7 =	vadd.f32 v10, v7;
	v6 =	vadd.f32 v6, v9;
	v0 =	vmul.f32 v0, v29  }
0xad: {  	v10 =	vmul.f32 v56, v18;
	v2 =	vmul.f32 v2, v30;
	v9 =	vadd.f32 v15, v11;
	v15 =	vld [tilespmem:$0x1FE70]  }
0xae: {  	v0 =	vadd.f32 v0, v3;
	v11 =	vadd.f32 v16, v12;
	v16 =	vld [tilespmem:$0x1FE80];
	v3 =	vmul.f32 v56, v14  }
0xaf: {  	v12 =	vmul.f32 v1, v14;
	v14 =	vmul.f32 v1, v18;
	v18 =	vld [tilespmem:$0x1FE90]  }
0xb0: {  	v3 =	vadd.f32 v3, v7;
	v7 =	vld.idx.msk [tilespmem:v17+s19+$0x0], $0xffff  }
0xb1: {  	v2 =	vadd.f32 v2, v4;
	v17 =	vld [tilespmem:$0x1FEA0]  }
0xb2: {  	v8 =	vadd.f32 v10, v8;
	v10 =	vld.idx.msk [tilespmem:v63+s19+$0x0], $0xffff;
	v4 =	vmul.f32 v56, v15;
	v15 =	vmul.f32 v1, v15  }
0xb3: {  	v60 =	vld.idx.msk [tilespmem:v60+s26+$0x0], $0xffff;
	v1 =	vmul.f32 v1, v27  }
0xb4: {  	v26 =	vld [tilespmem:$0x1FFB0];
	v0 =	vadd.f32 v4, v0;
	v4 =	vmul.f32 v59, v16;
	v11 =	vadd.f32 v15, v11  }
0xb5: {  	v19 =	vld [tilespmem:$0x1FED0];
	v1 =	vadd.f32 v1, v2;
	v15 =	vmul.f32 v62, v16;
	v2 =	vmul.f32 v59, v18  }
0xb6: {  	s1 =	sadd.s32 $0x100, s1;
	v3 =	vadd.f32 v4, v3;
	v16 =	vmul.f32 v62, v18;
	v18 =	vld [tilespmem:$0x1FEB0];
	v4 =	vmul.f32 v62, v17  }
0xb7: {  	v63 =	vld [tilespmem:$0x1FEE0];
	v6 =	vadd.f32 v12, v6;
	v12 =	vor.u32 v21, v13;
	[tilespmem:s1+$0xFFFFFF80] =	vst v10  }
0xb8: {  	v4 =	vadd.f32 v4, v11;
	v11 =	vld.idx.msk [tilespmem:v54+s19+$0x0], $0xffff  }
0xb9: {  	v9 =	vadd.f32 v14, v9;
	v14 =	vmul.f32 v59, v17;
	v17 =	vmul.f32 v62, v26;
	v54 =	vld [tilespmem:$0x1FFE0]  }
0xba: {  	v6 =	vadd.f32 v15, v6;
	v59 =	vld [tilespmem:$0x1FFF0]  }
0xbb: {  	[tilespmem:s1+$0x0] =	vst v7;
	v9 =	vadd.f32 v16, v9;
	v1 =	vadd.f32 v17, v1;
	v17 =	vld [tilespmem:$0x1FEC0];
	v16 =	vmul.f32 v58, v18  }
0xbc: {  	v10 =	vld.idx.msk [tilespmem:v12+s19+$0x0], $0xffff  }
0xbd: {  	v7 =	vmul.f32 v61, v18;
	v6 =	vadd.f32 v16, v6;
	v16 =	vld [tilespmem:$0x1FEF0]  }
0xbe: {  	v25 =	vld [tilespmem:$0x1FFC0];
	v15 =	vor.u32 v54, v13  }
0xbf: {  	v18 =	vmul.f32 v58, v19;
	v3 =	vadd.f32 v7, v3;
	v7 =	vmul.f32 v57, v63  }
0xc0: {  	v2 =	vadd.f32 v2, v8;
	v0 =	vadd.f32 v14, v0;
	v12 =	vmul.f32 v61, v17  }
0xc1: {  	v14 =	vmul.f32 v61, v19;
	v4 =	vadd.f32 v18, v4;
	v18 =	vld [tilespmem:$0x1FF00];
	v3 =	vadd.f32 v7, v3  }
0xc2: {  	[tilespmem:s1+$0x10] =	vst v10;
	v7 =	vor.u32 v59, v13;
	v13 =	vld [tilespmem:$0x1FF30];
	v2 =	vadd.f32 v12, v2;
	v12 =	vmul.f32 v57, v16  }
0xc3: {  	v19 =	vmul.f32 v58, v25;
	v0 =	vadd.f32 v14, v0;
	v17 =	vmul.f32 v58, v17;
	v14 =	vld.idx.msk [tilespmem:v15+s19+$0x0], $0xffff  }
0xc4: {  	v5 =	vshll.u32 v5, $0x5;
	[tilespmem:s1+$0xFFFFFF90] =	vst v11;
	v15 =	vmul.f32 v55, v63;
	v2 =	vadd.f32 v12, v2;
	v12 =	vld [tilespmem:$0x1FF20]  }
0xc5: {  	v8 =	vmov s0;
	v1 =	vadd.f32 v19, v1;
	v9 =	vadd.f32 v17, v9;
	v17 =	vld.idx.msk [tilespmem:v50+s19+$0x0], $0xffff  }
0xc6: {  	v10 =	vmul.f32 v57, v18;
	v16 =	vmul.f32 v55, v16;
	v6 =	vadd.f32 v15, v6;
	v15 =	vld [tilespmem:$0x1FF40]  }
0xc7: {  	v19 =	vmul.f32 v55, v24;
	v11 =	vshll.u32 v48, $0x5;
	v18 =	vmul.f32 v55, v18  }
0xc8: {  	v48 =	vmovc v8;
	v0 =	vadd.f32 v10, v0;
	v8 =	vadd.f32 v16, v9;
	v10 =	vmul.f32 v53, v13;
	v16 =	vld [tilespmem:$0x1FF60]  }
0xc9: {  	v1 =	vadd.f32 v19, v1;
	v4 =	vadd.f32 v18, v4;
	v18 =	vld [tilespmem:$0x1FF80];
	v9 =	vmul.f32 v53, v12  }
0xca: {  	v19 =	vmul.f32 v60, v22;
	v13 =	vmul.f32 v52, v13;
	v2 =	vadd.f32 v10, v2;
	[tilespmem:s1+$0xFFFFFFA0] =	vst v17;
	v17 =	vld [tilespmem:$0x1FF70]  }
0xcb: {  	v12 =	vmul.f32 v52, v12;
	v3 =	vadd.f32 v9, v3;
	v9 =	vmul.f32 v53, v15  }
0xcc: {  	v10 =	vor.u32 $0x1, v11;
	[tilespmem:s1+$0x20] =	vst v14;
	v14 =	vmul.f32 v52, v15;
	v15 =	vmul.f32 v52, v23  }
0xcd: {  	v8 =	vadd.f32 v13, v8;
	v7 =	vld.idx.msk [tilespmem:v7+s19+$0x0], $0xffff;
	v6 =	vadd.f32 v12, v6;
	v12 =	vmul.f32 v51, v16  }
0xce: {  	v13 =	vmul.f32 v51, v18;
	v0 =	vadd.f32 v9, v0;
	v1 =	vadd.f32 v15, v1  }
0xcf: {  	v9 =	vld.idx.msk [tilespmem:v49+s19+$0x0], $0xffff;
	v3 =	vadd.f32 v12, v3;
	v12 =	vmul.f32 v51, v17;
	v15 =	vor.u32 $0x1, v5  }
0xd0: {  	v18 =	vmul.f32 v60, v18;
	v16 =	vmul.f32 v60, v16;
	v4 =	vadd.f32 v14, v4  }
0xd1: {  	v14 =	vld.idx.msk [tilespmem:v48+s17+$0x0], $0xffff;
	v17 =	vmul.f32 v60, v17;
	v2 =	vadd.f32 v12, v2;
	[tilespmem:s6+$0x40] =	vst v3  }
0xd2: {  	v60 =	vor.u32 $0x9, v11;
	v3 =	vor.u32 $0x2, v5;
	v0 =	vadd.f32 v13, v0;
	[tilespmem:s1+$0x30] =	vst v7  }
0xd3: {  	v8 =	vadd.f32 v17, v8;
	v13 =	vadd.f32 v18, v4;
	v17 =	vor.u32 $0x3, v5;
	v12 =	vld.idx.msk [tilespmem:v5+s26+$0x0], $0xffff;
	[tilespmem:s6+$0x50] =	vst v2  }
0xd4: {  	v1 =	vadd.f32 v19, v1;
	v7 =	vadd.f32 v16, v6;
	[tilespmem:s1+$0xFFFFFFB0] =	vst v9;
	v9 =	vor.u32 $0x2, v11;
	v15 =	vld.idx.msk [tilespmem:v15+s26+$0x0], $0xffff  }
0xd5: {  	v18 =	vor.u32 $0x7, v11;
	v19 =	vor.u32 $0x8, v11;
	[tilespmem:s6+$0x60] =	vst v0;
	v6 =	vld.idx.msk [tilespmem:v10+s26+$0x0], $0xffff;
	v10 =	vor.u32 $0x4, v5  }
0xd6: {  	v2 =	vor.u32 $0x3, v11;
	v0 =	vshll.u32 v14, $0x6;
	v16 =	vld.idx.msk [tilespmem:v11+s26+$0x0], $0xffff;
	[tilespmem:s6+$0xFFFFFFC0] =	vst v7;
	v7 =	vor.u32 $0x4, v11  }
0xd7: {  	v50 =	vor.u32 v54, v0;
	v49 =	vor.u32 v59, v0;
	[tilespmem:s6+$0xFFFFFFD0] =	vst v8;
	v8 =	vor.u32 $0x5, v5;
	v3 =	vld.idx.msk [tilespmem:v3+s26+$0x0], $0xffff  }
0xd8: {  	v63 =	vor.u32 v20, v0;
	v54 =	vor.u32 v21, v0;
	v20 =	vor.u32 $0x6, v5;
	v0 =	vld.idx.msk [tilespmem:v17+s26+$0x0], $0xffff  }
0xd9: {  	v14 =	vor.u32 $0x6, v11;
	v17 =	vmul.f32 v12, v40;
	v4 =	vld.idx.msk [tilespmem:v9+s26+$0x0], $0xffff;
	[tilespmem:s6+$0xFFFFFFE0] =	vst v13;
	v13 =	vmul.f32 v12, v42  }
0xda: {  	v9 =	vor.u32 $0x5, v11;
	v11 =	vmul.f32 v12, v43;
	[tilespmem:s6+$0xFFFFFFF0] =	vst v1;
	v12 =	vmul.f32 v12, v41;
	v56 =	vld.idx.msk [tilespmem:v10+s26+$0x0], $0xffff  }
0xdb: {  	v62 =	vmul.f32 v15, v37;
	v51 =	vmul.f32 v16, v43;
	v1 =	vld.idx.msk [tilespmem:v7+s26+$0x0], $0xffff;
	v13 =	vadd.f32 v13, v44  }
0xdc: {  	v53 =	vmul.f32 v16, v40;
	v55 =	vmul.f32 v16, v41;
	v7 =	vor.u32 $0x7, v5;
	v59 =	vld.idx.msk [tilespmem:v8+s26+$0x0], $0xffff  }
0xdd: {  	v16 =	vmul.f32 v16, v42;
	v61 =	vld.idx.msk [tilespmem:v20+s26+$0x0], $0xffff;
	v24 =	vmul.f32 v3, v34;
	v13 =	vadd.f32 v62, v13  }
0xde: {  	v8 =	vadd.f32 v17, v46;
	v17 =	vor.u32 $0x8, v5;
	v58 =	vld.idx.msk [tilespmem:v14+s26+$0x0], $0xffff;
	v5 =	vor.u32 $0x9, v5  }
0xdf: {  	v52 =	vld.idx.msk [tilespmem:v19+s26+$0x0], $0xffff;
	v21 =	vadd.f32 v11, v47;
	v13 =	vadd.f32 v24, v13;
	v24 =	vmul.f32 v0, v30  }
0xe0: {  	p0 =	slt.u32 s0, $0x1FE;
	v19 =	vmul.f32 v6, v36;
	v10 =	vadd.f32 v12, v45;
	v12 =	vadd.f32 v55, v45;
	v55 =	vld.idx.msk [tilespmem:v18+s26+$0x0], $0xffff  }
.Ltmp0:
0xe1: {  	v11 =	vadd.f32 v53, v46;
	v62 =	vld.idx.msk [tilespmem:v9+s26+$0x0], $0xffff;
	v20 =	vmul.f32 v56, v27;
	v14 =	vadd.f32 v24, v13;
	(pc) =	sbr.rel @p0 .LBB2_2-.Ltmp0, $4  }
0xe2: {  	v18 =	vmul.f32 v6, v38;
	v9 =	vadd.f32 v51, v47;
	v57 =	vld.idx.msk [tilespmem:v7+s26+$0x0], $0xffff;
	v7 =	vmul.f32 v15, v39  }
0xe3: {  	v53 =	vld.idx.msk [tilespmem:v17+s26+$0x0], $0xffff;
	v17 =	vmul.f32 v6, v39;
	v14 =	vadd.f32 v20, v14;
	v20 =	vmul.f32 v59, v26  }
0xe4: {  	v2 =	vld.idx.msk [tilespmem:v2+s26+$0x0], $0xffff;
	v13 =	vadd.f32 v16, v44;
	v16 =	vmul.f32 v15, v38;
	v15 =	vmul.f32 v15, v36  }
0xe5: {  	s2 =	sadd.s32 $0x1, s0;
	s0 =	sadd.s32 $0x2, s0;
	s6 =	smov.u32 s1;
	v51 =	vld.idx.msk [tilespmem:v5+s26+$0x0], $0xffff;
	v7 =	vadd.f32 v7, v21;
	v14 =	vadd.f32 v20, v14;
	v20 =	vmul.f32 v61, v25  }
0xe6: {  	_ = 	snop  }
0xe7: {  	v14 =	vadd.f32 v20, v14;
	v20 =	vld [tilespmem:$0x1FF10];
	_ =	sdelay $0x1  }
0xe8: {  	v11 =	vadd.f32 v18, v11;
	v18 =	vld [tilespmem:$0x1FF50];
	_ =	sdelay $0x1  }
0xe9: {  	v21 =	vld [tilespmem:$0x1FF90]  }
0xea: {  	v10 =	vadd.f32 v15, v10;
	v15 =	vmul.f32 v57, v20  }
0xeb: {  	v5 =	vadd.f32 v16, v8;
	v8 =	vmov s2  }
0xec: {  	v16 =	vmul.f32 v53, v18;
	v14 =	vadd.f32 v15, v14  }
0xed: {  	v6 =	vmul.f32 v6, v37  }
0xee: {  	v15 =	vmul.f32 v3, v35;
	v14 =	vadd.f32 v16, v14;
	v16 =	vmul.f32 v51, v21  }
0xef: {  	v6 =	vadd.f32 v6, v13  }
0xf0: {  	v13 =	vmul.f32 v3, v32;
	v7 =	vadd.f32 v15, v7;
	v15 =	vld.idx.msk [tilespmem:v8+s17+$0x0], $0xffff;
	v14 =	vadd.f32 v16, v14  }
0xf1: {  	v9 =	vadd.f32 v17, v9;
	v12 =	vadd.f32 v19, v12;
	v3 =	vmul.f32 v3, v33  }
0xf2: {  	v5 =	vadd.f32 v13, v5;
	v16 =	vmul.f32 v4, v33;
	[tilespmem:$0x1FCA0] =	vst v14;
	v14 =	vmul.f32 v4, v32  }
0xf3: {  	v13 =	vmul.f32 v4, v35;
	v3 =	vadd.f32 v3, v10;
	v4 =	vmul.f32 v4, v34  }
0xf4: {  	v10 =	vadd.f32 v14, v11;
	v11 =	vadd.f32 v16, v12  }
0xf5: {  	v12 =	vshll.u32 v15, $0x6;
	v4 =	vadd.f32 v4, v6;
	v6 =	vlaneseq.u32  }
0xf6: {  	v14 =	vmul.f32 v0, v28;
	v15 =	vld [tilespmem:$0x1FE70];
	v6 =	vor.u32 v6, v12  }
0xf7: {  	v26 =	vld [tilespmem:$0x1FE50];
	v9 =	vadd.f32 v13, v9;
	v13 =	vmul.f32 v0, v31;
	v0 =	vmul.f32 v0, v29  }
0xf8: {  	v5 =	vadd.f32 v14, v5  }
0xf9: {  	v0 =	vadd.f32 v0, v3;
	v3 =	vmul.f32 v2, v28;
	v14 =	vmul.f32 v2, v29  }
0xfa: {  	v27 =	vld [tilespmem:$0x1FE60];
	v7 =	vadd.f32 v13, v7;
	v13 =	vmul.f32 v2, v31  }
0xfb: {  	v3 =	vadd.f32 v3, v10;
	v10 =	vadd.f32 v14, v11;
	v11 =	vmul.f32 v56, v15;
	v6 =	vld.idx.msk [tilespmem:v6+s19+$0x0], $0xffff  }
0xfc: {  	v9 =	vadd.f32 v13, v9;
	v13 =	vmul.f32 v56, v26;
	v2 =	vmul.f32 v2, v30;
	v14 =	vld [tilespmem:$0x1FFD0]  }
0xfd: {  	v0 =	vadd.f32 v11, v0;
	v11 =	vld [tilespmem:$0x1FFA0]  }
0xfe: {  	v2 =	vadd.f32 v2, v4;
	v4 =	vadd.f32 v13, v7;
	v13 =	vmul.f32 v1, v26  }
0xff: {  	s0 =	sadd.s32 $0x100, s1;
	v7 =	vmul.f32 v56, v27  }
0x100: {  	v9 =	vadd.f32 v13, v9;
	v13 =	vld [tilespmem:$0x1FE80];
	[tilespmem:s0+$0x0] =	vst v6  }
0x101: {  	v15 =	vmul.f32 v1, v15;
	v5 =	vadd.f32 v7, v5;
	v22 =	vld [tilespmem:$0x1FE90]  }
0x102: {  	v7 =	vmul.f32 v1, v27;
	v14 =	vor.u32 v14, v12;
	v1 =	vmul.f32 v1, v11;
	v25 =	vld [tilespmem:$0x1FEA0];
	_ =	sdelay $0x1  }
0x103: {  	v1 =	vadd.f32 v1, v2;
	v2 =	vld.idx.msk [tilespmem:v63+s19+$0x0], $0xffff  }
0x104: {  	v3 =	vadd.f32 v7, v3;
	v7 =	vadd.f32 v15, v10;
	v10 =	vmul.f32 v59, v13;
	v63 =	vld [tilespmem:$0x1FFB0]  }
0x105: {  	v6 =	vmul.f32 v59, v22  }
0x106: {  	v4 =	vadd.f32 v10, v4;
	v11 =	vld.idx.msk [tilespmem:v14+s19+$0x0], $0xffff;
	v10 =	vmul.f32 v59, v25  }
0x107: {  	v14 =	vld [tilespmem:$0x1FFE0];
	v5 =	vadd.f32 v6, v5;
	v6 =	vmul.f32 v62, v22  }
0x108: {  	v13 =	vmul.f32 v62, v13;
	v0 =	vadd.f32 v10, v0  }
0x109: {  	v10 =	vmul.f32 v62, v25;
	v3 =	vadd.f32 v6, v3;
	v6 =	vmul.f32 v62, v63;
	v62 =	vld [tilespmem:$0x1FEB0];
	[tilespmem:s0+$0xFFFFFF80] =	vst v2  }
0x10a: {  	v23 =	vld [tilespmem:$0x1FEC0]  }
0x10b: {  	v56 =	vld [tilespmem:$0x1FED0]  }
0x10c: {  	v14 =	vor.u32 v14, v12;
	[tilespmem:s0+$0x10] =	vst v11;
	v1 =	vadd.f32 v6, v1;
	v6 =	vld.idx.msk [tilespmem:v54+s19+$0x0], $0xffff  }
0x10d: {  	v11 =	vld [tilespmem:$0x1FFF0]  }
0x10e: {  	v54 =	vld [tilespmem:$0x1FFC0]  }
0x10f: {  	v2 =	vadd.f32 v10, v7;
	v24 =	vld [tilespmem:$0x1FEF0];
	v7 =	vmul.f32 v61, v23  }
0x110: {  	v9 =	vadd.f32 v13, v9;
	v13 =	vmul.f32 v61, v62;
	v10 =	vmul.f32 v61, v56;
	v61 =	vld [tilespmem:$0x1FEE0]  }
0x111: {  	[tilespmem:s0+$0xFFFFFF90] =	vst v6;
	v5 =	vadd.f32 v7, v5;
	v7 =	vld.idx.msk [tilespmem:v14+s19+$0x0], $0xffff  }
0x112: {  	v11 =	vor.u32 v11, v12;
	v0 =	vadd.f32 v10, v0;
	v10 =	vmul.f32 v58, v62;
	v59 =	vld [tilespmem:$0x1FF00];
	_ =	sdelay $0x1  }
0x113: {  	v9 =	vadd.f32 v10, v9;
	v10 =	vmul.f32 v58, v54  }
0x114: {  	v4 =	vadd.f32 v13, v4;
	v12 =	vmul.f32 v58, v23  }
0x115: {  	v13 =	vmul.f32 v58, v56;
	v1 =	vadd.f32 v10, v1;
	v10 =	vld.idx.msk [tilespmem:v50+s19+$0x0], $0xffff;
	[tilespmem:s0+$0x20] =	vst v7  }
0x116: {  	v3 =	vadd.f32 v12, v3;
	v12 =	vmul.f32 v57, v24;
	v6 =	vmul.f32 v57, v59;
	v11 =	vld.idx.msk [tilespmem:v11+s19+$0x0], $0xffff  }
0x117: {  	v8 =	vshll.u32 v8, $0x5;
	v14 =	vmul.f32 v57, v61;
	v7 =	vmul.f32 v55, v61;
	v58 =	vld [tilespmem:$0x1FF20]  }
0x118: {  	v5 =	vadd.f32 v12, v5;
	v12 =	vmul.f32 v55, v59;
	v57 =	vld [tilespmem:$0x1FF30];
	v0 =	vadd.f32 v6, v0  }
0x119: {  	v6 =	vmul.f32 v55, v24;
	v7 =	vadd.f32 v7, v9;
	v9 =	vmul.f32 v55, v20;
	v55 =	vld [tilespmem:$0x1FF40]  }
0x11a: {  	v2 =	vadd.f32 v13, v2;
	v13 =	vor.u32 $0x1, v8  }
0x11b: {  	v4 =	vadd.f32 v14, v4  }
0x11c: {  	v2 =	vadd.f32 v12, v2;
	v12 =	vld.idx.msk [tilespmem:v60+s26+$0x0], $0xffff;
	v3 =	vadd.f32 v6, v3;
	[tilespmem:s0+$0xFFFFFFA0] =	vst v10  }
0x11d: {  	v1 =	vadd.f32 v9, v1;
	v16 =	vld.idx.msk [tilespmem:v49+s19+$0x0], $0xffff;
	v6 =	vmul.f32 v53, v58;
	[tilespmem:s0+$0x30] =	vst v11  }
0x11e: {  	v10 =	vshll.u32 v48, $0x5;
	v9 =	vmul.f32 v53, v57;
	v14 =	vmul.f32 v53, v55;
	v53 =	vld [tilespmem:$0x1FF60]  }
0x11f: {  	v15 =	vmul.f32 v52, v57;
	v13 =	vld.idx.msk [tilespmem:v13+s26+$0x0], $0xffff;
	v4 =	vadd.f32 v6, v4;
	v6 =	vmul.f32 v52, v58  }
0x120: {  	v11 =	vmul.f32 v52, v55;
	v5 =	vadd.f32 v9, v5;
	v9 =	vmul.f32 v52, v18;
	v52 =	vld [tilespmem:$0x1FF70]  }
0x121: {  	v50 =	vld [tilespmem:$0x1FF80];
	v14 =	vadd.f32 v14, v0;
	v0 =	vadd.f32 v6, v7;
	v7 =	vor.u32 $0x2, v8  }
0x122: {  	v17 =	vld.idx.msk [tilespmem:v8+s26+$0x0], $0xffff  }
0x123: {  	[tilespmem:s0+$0xFFFFFFB0] =	vst v16;
	v16 =	vor.u32 $0x3, v8  }
0x124: {  	v15 =	vadd.f32 v15, v3;
	v6 =	vmul.f32 v51, v53  }
0x125: {  	v11 =	vadd.f32 v11, v2;
	v9 =	vadd.f32 v9, v1;
	v19 =	vld.idx.msk [tilespmem:v10+s26+$0x0], $0xffff;
	v1 =	vmul.f32 v51, v52  }
0x126: {  	v2 =	vmul.f32 v51, v50;
	v20 =	vmul.f32 v13, v37;
	v3 =	vadd.f32 v6, v4;
	v7 =	vld.idx.msk [tilespmem:v7+s26+$0x0], $0xffff  }
0x127: {  	v60 =	vmovc v18;
	v6 =	vmul.f32 v12, v53;
	v4 =	vadd.f32 v1, v5;
	v1 =	vmul.f32 v17, v42  }
0x128: {  	v18 =	vmul.f32 v12, v52;
	v48 =	vadd.f32 v2, v14;
	v5 =	vmul.f32 v12, v50;
	v16 =	vld.idx.msk [tilespmem:v16+s26+$0x0], $0xffff  }
0x129: {  	v0 =	vadd.f32 v6, v0;
	v6 =	vor.u32 $0x4, v8;
	v14 =	vadd.f32 v1, v44  }
0x12a: {  	v2 =	vadd.f32 v18, v15;
	v12 =	vmul.f32 v12, v21;
	v15 =	vmul.f32 v17, v43  }
0x12b: {  	v51 =	vmovc v21;
	v21 =	vmul.f32 v19, v43;
	v14 =	vadd.f32 v20, v14;
	v49 =	vmul.f32 v7, v34  }
0x12c: {  	v1 =	vadd.f32 v5, v11;
	v11 =	vor.u32 $0x5, v8;
	v15 =	vadd.f32 v15, v47  }
0x12d: {  	v21 =	vadd.f32 v21, v47;
	v47 =	vmul.f32 v16, v30;
	v14 =	vadd.f32 v49, v14  }
0x12e: {  	v20 =	vor.u32 $0x1, v10;
	v43 =	vld.idx.msk [tilespmem:v6+s26+$0x0], $0xffff  }
0x12f: {  	v6 =	vor.u32 $0x6, v8;
	v14 =	vadd.f32 v47, v14;
	v47 =	vld [tilespmem:$0x1FFA0]  }
0x130: {  	v18 =	vmul.f32 v17, v40;
	v17 =	vmul.f32 v17, v41  }
0x131: {  	v5 =	vadd.f32 v12, v9;
	v9 =	vmul.f32 v19, v40;
	v40 =	vor.u32 $0x7, v8  }
0x132: {  	v12 =	vmul.f32 v19, v41;
	v19 =	vmul.f32 v19, v42;
	v42 =	vor.u32 $0x8, v8;
	v11 =	vld.idx.msk [tilespmem:v11+s26+$0x0], $0xffff  }
0x133: {  	v18 =	vadd.f32 v18, v46;
	v20 =	vld.idx.msk [tilespmem:v20+s26+$0x0], $0xffff  }
0x134: {  	v17 =	vadd.f32 v17, v45;
	v9 =	vadd.f32 v9, v46;
	v41 =	vld.idx.msk [tilespmem:v6+s26+$0x0], $0xffff;
	v6 =	vmul.f32 v43, v47  }
0x135: {  	v19 =	vadd.f32 v19, v44;
	v8 =	vor.u32 $0x9, v8;
	v49 =	vmul.f32 v13, v39  }
0x136: {  	v44 =	vmul.f32 v13, v38;
	v46 =	vmul.f32 v7, v35;
	v6 =	vadd.f32 v6, v14;
	v14 =	vld.idx.msk [tilespmem:v40+s26+$0x0], $0xffff  }
0x137: {  	v15 =	vadd.f32 v49, v15;
	v49 =	vmul.f32 v11, v63;
	v40 =	vld.idx.msk [tilespmem:v42+s26+$0x0], $0xffff;
	v42 =	vor.u32 $0x2, v10  }
0x138: {  	v12 =	vadd.f32 v12, v45;
	v13 =	vmul.f32 v13, v36;
	v39 =	vmul.f32 v20, v39  }
0x139: {  	v38 =	vmul.f32 v20, v38;
	v45 =	vadd.f32 v49, v6;
	v49 =	vmul.f32 v41, v54  }
0x13a: {  	v18 =	vadd.f32 v44, v18;
	v36 =	vmul.f32 v20, v36;
	v20 =	vmul.f32 v20, v37;
	v6 =	vld.idx.msk [tilespmem:v8+s26+$0x0], $0xffff  }
0x13b: {  	v8 =	vadd.f32 v13, v17;
	v13 =	vadd.f32 v49, v45;
	v45 =	vld [tilespmem:$0x1FF10];
	v49 =	vor.u32 $0x3, v10  }
0x13c: {  	v15 =	vadd.f32 v46, v15;
	v37 =	vor.u32 $0x9, v10;
	v21 =	vadd.f32 v39, v21;
	v42 =	vld.idx.msk [tilespmem:v42+s26+$0x0], $0xffff  }
0x13d: {  	v19 =	vadd.f32 v20, v19;
	v20 =	vmul.f32 v7, v32;
	v7 =	vmul.f32 v7, v33  }
0x13e: {  	v9 =	vadd.f32 v38, v9;
	v12 =	vadd.f32 v36, v12;
	v36 =	vor.u32 $0x7, v10  }
0x13f: {  	v38 =	vor.u32 $0x8, v10;
	v7 =	vadd.f32 v7, v8;
	v8 =	vmul.f32 v16, v31  }
0x140: {  	v18 =	vadd.f32 v20, v18;
	v20 =	vor.u32 $0x4, v10;
	v17 =	vmul.f32 v14, v45;
	v39 =	vld.idx.msk [tilespmem:v49+s26+$0x0], $0xffff  }
0x141: {  	v8 =	vadd.f32 v8, v15;
	v35 =	vmul.f32 v42, v35;
	v49 =	vmul.f32 v42, v32  }
0x142: {  	v44 =	vmul.f32 v42, v33;
	v13 =	vadd.f32 v17, v13;
	v17 =	vmul.f32 v40, v60  }
0x143: {  	v46 =	vmul.f32 v42, v34;
	v9 =	vadd.f32 v49, v9;
	v49 =	vmul.f32 v16, v28  }
0x144: {  	v12 =	vadd.f32 v44, v12;
	v13 =	vadd.f32 v17, v13;
	v17 =	vmul.f32 v6, v51  }
0x145: {  	v20 =	vld.idx.msk [tilespmem:v20+s26+$0x0], $0xffff;
	v16 =	vmul.f32 v16, v29;
	v19 =	vadd.f32 v46, v19;
	v29 =	vmul.f32 v39, v29  }
0x146: {  	v13 =	vadd.f32 v17, v13;
	v17 =	vor.u32 $0x6, v10;
	v10 =	vor.u32 $0x5, v10  }
0x147: {  	v46 =	vmul.f32 v41, v56;
	v31 =	vmul.f32 v39, v31;
	v12 =	vadd.f32 v29, v12;
	v29 =	vld [tilespmem:$0x1FE70]  }
0x148: {  	v21 =	vadd.f32 v35, v21;
	v28 =	vmul.f32 v39, v28;
	v30 =	vmul.f32 v39, v30  }
0x149: {  	v42 =	vld [tilespmem:$0x1FE80];
	v15 =	vadd.f32 v49, v18;
	v7 =	vadd.f32 v16, v7;
	v16 =	vmul.f32 v43, v26  }
0x14a: {  	v39 =	vmul.f32 v43, v27;
	v26 =	vmul.f32 v20, v26;
	v18 =	vadd.f32 v31, v21  }
0x14b: {  	v27 =	vmul.f32 v20, v27;
	v9 =	vadd.f32 v28, v9;
	v19 =	vadd.f32 v30, v19;
	v10 =	vld.idx.msk [tilespmem:v10+s26+$0x0], $0xffff  }
0x14c: {  	v8 =	vadd.f32 v16, v8;
	v15 =	vadd.f32 v39, v15;
	v28 =	vmul.f32 v43, v29  }
0x14d: {  	v18 =	vadd.f32 v26, v18;
	v9 =	vadd.f32 v27, v9;
	v16 =	vmul.f32 v20, v29  }
0x14e: {  	v17 =	vld.idx.msk [tilespmem:v17+s26+$0x0], $0xffff;
	v20 =	vmul.f32 v20, v47;
	v43 =	vmul.f32 v11, v42;
	v7 =	vadd.f32 v28, v7  }
0x14f: {  	v12 =	vadd.f32 v16, v12;
	v16 =	vmul.f32 v11, v22;
	v11 =	vmul.f32 v11, v25  }
0x150: {  	v19 =	vadd.f32 v20, v19;
	v8 =	vadd.f32 v43, v8;
	v20 =	vmul.f32 v10, v42  }
0x151: {  	v22 =	vmul.f32 v10, v22;
	v44 =	vmul.f32 v10, v25;
	v15 =	vadd.f32 v16, v15  }
0x152: {  	v10 =	vmul.f32 v10, v63;
	v7 =	vadd.f32 v11, v7;
	v11 =	vmul.f32 v41, v62  }
0x153: {  	v47 =	vmul.f32 v17, v62;
	v49 =	vmul.f32 v17, v56;
	v16 =	vadd.f32 v20, v18  }
0x154: {  	v9 =	vadd.f32 v22, v9;
	v18 =	vmul.f32 v41, v23;
	v20 =	vld.idx.msk [tilespmem:v36+s26+$0x0], $0xffff;
	v12 =	vadd.f32 v44, v12  }
0x155: {  	v10 =	vadd.f32 v10, v19;
	v19 =	vmul.f32 v17, v23;
	v17 =	vmul.f32 v17, v54;
	v54 =	vld [tilespmem:$0x1FCA0]  }
0x156: {  	v8 =	vadd.f32 v11, v8;
	v7 =	vadd.f32 v46, v7;
	[tilespmem:s6+$0xFFFFFFF0] =	vst v5;
	v5 =	vmul.f32 v6, v50  }
0x157: {  	v11 =	vadd.f32 v18, v15;
	v15 =	vmul.f32 v14, v61;
	v16 =	vadd.f32 v47, v16  }
0x158: {  	v18 =	vld.idx.msk [tilespmem:v38+s26+$0x0], $0xffff;
	v9 =	vadd.f32 v19, v9;
	v19 =	vmul.f32 v14, v24;
	v12 =	vadd.f32 v49, v12  }
0x159: {  	v10 =	vadd.f32 v17, v10;
	v14 =	vmul.f32 v14, v59;
	v8 =	vadd.f32 v15, v8  }
0x15a: {  	v11 =	vadd.f32 v19, v11;
	[tilespmem:s1+$0x70] =	vst v54;
	v17 =	vmul.f32 v20, v61;
	v56 =	vmul.f32 v20, v59  }
0x15b: {  	v7 =	vadd.f32 v14, v7;
	v15 =	vld.idx.msk [tilespmem:v37+s26+$0x0], $0xffff;
	[tilespmem:s6+$0x40] =	vst v3;
	v3 =	vmul.f32 v20, v24  }
0x15c: {  	[tilespmem:s6+$0x50] =	vst v4;
	v4 =	vmul.f32 v20, v45;
	v14 =	vadd.f32 v17, v16;
	v12 =	vadd.f32 v56, v12  }
0x15d: {  	v16 =	vmul.f32 v40, v57;
	v17 =	vmul.f32 v18, v58;
	v3 =	vadd.f32 v3, v9  }
0x15e: {  	[tilespmem:s6+$0xFFFFFFC0] =	vst v0;
	v9 =	vmul.f32 v40, v58;
	v0 =	vadd.f32 v4, v10;
	v4 =	vmul.f32 v40, v55  }
0x15f: {  	[tilespmem:s6+$0xFFFFFFE0] =	vst v1;
	v10 =	vmul.f32 v18, v57;
	v1 =	vadd.f32 v16, v11;
	v16 =	vmul.f32 v6, v52  }
0x160: {  	[tilespmem:s6+$0xFFFFFFD0] =	vst v2;
	v2 =	vadd.f32 v9, v8;
	v9 =	vmul.f32 v6, v53;
	v4 =	vadd.f32 v4, v7  }
0x161: {  	[tilespmem:s0+$0x70] =	vst v13;
	v6 =	vadd.f32 v17, v14;
	v7 =	vmul.f32 v15, v53;
	v1 =	vadd.f32 v16, v1  }
0x162: {  	[tilespmem:s6+$0x60] =	vst v48;
	v11 =	vmul.f32 v18, v60;
	v8 =	vmul.f32 v18, v55;
	v2 =	vadd.f32 v9, v2  }
0x163: {  	v3 =	vadd.f32 v10, v3;
	v9 =	vmul.f32 v15, v52;
	v6 =	vadd.f32 v7, v6;
	[tilespmem:s0+$0x50] =	vst v1  }
0x164: {  	v0 =	vadd.f32 v11, v0;
	v1 =	vmul.f32 v15, v51;
	[tilespmem:s0+$0x40] =	vst v2;
	v2 =	vadd.f32 v5, v4  }
0x165: {  	v4 =	vadd.f32 v8, v12;
	v5 =	vmul.f32 v15, v50;
	v3 =	vadd.f32 v9, v3;
	[tilespmem:s0+$0xFFFFFFC0] =	vst v6  }
0x166: {  	v0 =	vadd.f32 v1, v0;
	[tilespmem:s0+$0x60] =	vst v2  }
0x167: {  	v2 =	vadd.f32 v5, v4;
	[tilespmem:s0+$0xFFFFFFD0] =	vst v3  }
0x168: {  	[tilespmem:s0+$0xFFFFFFF0] =	vst v0  }
0x169: {  	s6 =	simm.s32 $0x0;
	[tilespmem:s0+$0xFFFFFFE0] =	vst v2  }
0x16a: {  	[hbm4b:s13+s6] =	stream.linear.scatter [tilespmem:s30], [sflag:$0x4], $0x10000, $0x38;
	[tilespmem:$0x15B80] =	vst v63  }
0x16b: {  	_ =	swait.ge [sflag:s16], $0x10000  }
0x16c: {  	[sflag:s16] =	ssyncset.done $0x0  }
0x16d: {  	[sflag:s16] =	ssyncadd.s32 $0xFFFF0000  }
0x16e: {  	v0 =	vld [tilespmem:$0x15950];
	_ =	sdelay $0x4  }
0x16f: {  	[tilespmem:$0x1FCB0] =	vst v0;
	v0 =	vld [tilespmem:$0x15960];
	_ =	sdelay $0x4  }
0x170: {  	[tilespmem:$0x1FCC0] =	vst v0;
	v0 =	vld [tilespmem:$0x15980];
	_ =	sdelay $0x4  }
0x171: {  	[tilespmem:$0x1FCD0] =	vst v0;
	v0 =	vld [tilespmem:$0x15990];
	_ =	sdelay $0x4  }
0x172: {  	[tilespmem:$0x1FCE0] =	vst v0;
	v0 =	vld [tilespmem:$0x159A0];
	_ =	sdelay $0x4  }
0x173: {  	[tilespmem:$0x1FCF0] =	vst v0;
	v0 =	vld [tilespmem:$0x159C0];
	_ =	sdelay $0x4  }
0x174: {  	[tilespmem:$0x1FD00] =	vst v0;
	v0 =	vld [tilespmem:$0x159D0];
	_ =	sdelay $0x4  }
0x175: {  	[tilespmem:$0x1FD10] =	vst v0;
	v0 =	vld [tilespmem:$0x159E0];
	_ =	sdelay $0x4  }
0x176: {  	[tilespmem:$0x1FD20] =	vst v0;
	v0 =	vld [tilespmem:$0x15A00];
	_ =	sdelay $0x3  }
0x177: {  	v1 =	vld [tilespmem:$0x15A40]  }
0x178: {  	[tilespmem:$0x1FD30] =	vst v0;
	v0 =	vld [tilespmem:$0x15A10];
	_ =	sdelay $0x3  }
0x179: {  	[tilespmem:$0x1FD60] =	vst v1;
	v1 =	vld [tilespmem:$0x15A50]  }
0x17a: {  	[tilespmem:$0x1FD40] =	vst v0;
	v0 =	vld [tilespmem:$0x15A20];
	_ =	sdelay $0x3  }
0x17b: {  	s2 =	simm.s32 $0x1;
	[tilespmem:$0x1FD70] =	vst v1;
	v1 =	vld [tilespmem:$0x15A60]  }
0x17c: {  	[tilespmem:$0x1FD50] =	vst v0;
	v0 =	vmov s2  }
0x17d: {  	v2 =	vld [tilespmem:$0x15A70];
	_ =	sdelay $0x2  }
0x17e: {  	[tilespmem:$0x1FD80] =	vst v1  }
0x17f: {  	v1 =	vld.idx.msk [tilespmem:v0+s17+$0x0], $0xffff  }
0x180: {  	[tilespmem:$0x1FD90] =	vst v2;
	v2 =	vld [tilespmem:$0x15A80];
	_ =	sdelay $0x4  }
0x181: {  	[tilespmem:$0x1FDA0] =	vst v2;
	v2 =	vld [tilespmem:$0x15A90]  }
0x182: {  	v22 =	vld [tilespmem:$0x1FFD0]  }
0x183: {  	v43 =	vld [tilespmem:$0x15880]  }
0x184: {  	v41 =	vld [tilespmem:$0x15890]  }
0x185: {  	v42 =	vld [tilespmem:$0x158A0]  }
0x186: {  	[tilespmem:$0x1FDB0] =	vst v2;
	v2 =	vld [tilespmem:$0x15AA0]  }
0x187: {  	v40 =	vld [tilespmem:$0x158B0]  }
0x188: {  	v39 =	vld [tilespmem:$0x158C0]  }
0x189: {  	v36 =	vld [tilespmem:$0x158D0]  }
0x18a: {  	v3 =	vld [tilespmem:$0x15AD0]  }
0x18b: {  	[tilespmem:$0x1FDC0] =	vst v2;
	v2 =	vld [tilespmem:$0x15AB0]  }
0x18c: {  	v37 =	vld [tilespmem:$0x158E0]  }
0x18d: {  	v38 =	vld [tilespmem:$0x158F0]  }
0x18e: {  	v35 =	vld [tilespmem:$0x15900]  }
0x18f: {  	[tilespmem:$0x1FDF0] =	vst v3;
	v3 =	vld [tilespmem:$0x15AE0]  }
0x190: {  	[tilespmem:$0x1FDD0] =	vst v2;
	v2 =	vld [tilespmem:$0x15AC0]  }
0x191: {  	v32 =	vld [tilespmem:$0x15910]  }
0x192: {  	v33 =	vld [tilespmem:$0x15920]  }
0x193: {  	v34 =	vld [tilespmem:$0x15930]  }
0x194: {  	v6 =	vlaneseq.u32;
	v1 =	vshll.u32 v1, $0x6;
	[tilespmem:$0x1FE00] =	vst v3;
	v3 =	vld [tilespmem:$0x15AF0]  }
0x195: {  	v31 =	vld [tilespmem:$0x15940];
	[tilespmem:$0x1FDE0] =	vst v2;
	v2 =	vor.u32 v6, v1  }
0x196: {  	v30 =	vld [tilespmem:$0x15970]  }
0x197: {  	v18 =	vld [tilespmem:$0x159B0]  }
0x198: {  	v20 =	vld [tilespmem:$0x159F0]  }
0x199: {  	v19 =	vld [tilespmem:$0x15A30];
	[tilespmem:$0x1FE10] =	vst v3  }
0x19a: {  	v4 =	vmov s6;
	v2 =	vld.idx.msk [tilespmem:v2+s20+$0x0], $0xffff  }
0x19b: {  	v47 =	vld [tilespmem:$0x15B40];
	v3 =	vor.u32 v22, v1  }
0x19c: {  	v46 =	vld [tilespmem:$0x15B50]  }
0x19d: {  	v45 =	vld [tilespmem:$0x15B60]  }
0x19e: {  	s1 =	simm.s32 $0x5680;
	v44 =	vld [tilespmem:$0x15B70]  }
0x19f: {  	v5 =	vld.idx.msk [tilespmem:v4+s17+$0x0], $0xffff;
	[tilespmem:s1+$0x0] =	vst v2  }
0x1a0: {  	v2 =	vld.idx.msk [tilespmem:v3+s20+$0x0], $0xffff  }
0x1a1: {  	v23 =	vld [tilespmem:$0x1FFE0];
	_ =	sdelay $0x4  }
0x1a2: {  	v3 =	vshll.u32 v5, $0x6;
	v5 =	vor.u32 v23, v1;
	[tilespmem:s1+$0x10] =	vst v2  }
0x1a3: {  	v6 =	vor.u32 v6, v3;
	v24 =	vld [tilespmem:$0x1FFF0];
	_ =	sdelay $0x3  }
0x1a4: {  	v2 =	vld.idx.msk [tilespmem:v5+s20+$0x0], $0xffff  }
0x1a5: {  	v5 =	vld.idx.msk [tilespmem:v6+s20+$0x0], $0xffff;
	v1 =	vor.u32 v24, v1  }
0x1a6: {  	v6 =	vor.u32 v22, v3;
	_ =	sdelay $0x2  }
0x1a7: {  	[tilespmem:s1+$0x20] =	vst v2  }
0x1a8: {  	[tilespmem:s1+$0xFFFFFF80] =	vst v5;
	v5 =	vshll.u32 v0, $0x5;
	v1 =	vld.idx.msk [tilespmem:v1+s20+$0x0], $0xffff  }
0x1a9: {  	v0 =	vld.idx.msk [tilespmem:v6+s20+$0x0], $0xffff;
	v2 =	vor.u32 $0xA, v5  }
0x1aa: {  	v6 =	vor.u32 v23, v3  }
0x1ab: {  	v7 =	vor.u32 $0xB, v5;
	_ =	sdelay $0x1  }
0x1ac: {  	[tilespmem:s1+$0x30] =	vst v1;
	v1 =	vor.u32 $0xC, v5  }
0x1ad: {  	[tilespmem:s1+$0xFFFFFF90] =	vst v0;
	v8 =	vld.idx.msk [tilespmem:v2+s26+$0x0], $0xffff  }
0x1ae: {  	v0 =	vld.idx.msk [tilespmem:v6+s20+$0x0], $0xffff;
	v2 =	vor.u32 $0xD, v5  }
0x1af: {  	v6 =	vor.u32 v24, v3;
	v7 =	vld.idx.msk [tilespmem:v7+s26+$0x0], $0xffff  }
0x1b0: {  	v9 =	vor.u32 $0xE, v5  }
0x1b1: {  	v3 =	vld.idx.msk [tilespmem:v1+s26+$0x0], $0xffff  }
0x1b2: {  	s6 =	simm.s32 $0x2;
	v1 =	vmul.f32 v8, v40  }
0x1b3: {  	v10 =	vshll.u32 v4, $0x5;
	v48 =	vmov s6;
	[tilespmem:s1+$0xFFFFFFA0] =	vst v0;
	v0 =	vld.idx.msk [tilespmem:v2+s26+$0x0], $0xffff  }
0x1b4: {  	v4 =	vor.u32 $0xF, v5;
	v2 =	vld.idx.msk [tilespmem:v6+s20+$0x0], $0xffff;
	v6 =	vmul.f32 v7, v38;
	v1 =	vadd.f32 v1, v44  }
0x1b5: {  	v11 =	vor.u32 $0xA, v10;
	v57 =	vld.idx.msk [tilespmem:v9+s26+$0x0], $0xffff  }
0x1b6: {  	v9 =	vor.u32 $0xB, v10;
	v1 =	vadd.f32 v6, v1;
	v6 =	vmul.f32 v3, v34  }
0x1b7: {  	v12 =	vor.u32 $0xC, v10  }
0x1b8: {  	v15 =	vor.u32 $0xD, v10;
	v14 =	vld.idx.msk [tilespmem:v48+s17+$0x0], $0xffff;
	v1 =	vadd.f32 v6, v1;
	v6 =	vmul.f32 v0, v30  }
0x1b9: {  	v16 =	vor.u32 $0xE, v10;
	v60 =	vld.idx.msk [tilespmem:v4+s26+$0x0], $0xffff;
	v13 =	vmul.f32 v8, v43;
	[tilespmem:s1+$0xFFFFFFB0] =	vst v2  }
0x1ba: {  	v17 =	vor.u32 $0xF, v10;
	v4 =	vmul.f32 v57, v18;
	v11 =	vld.idx.msk [tilespmem:v11+s26+$0x0], $0xffff;
	[tilespmem:$0x1FE20] =	vst v18;
	v1 =	vadd.f32 v6, v1  }
0x1bb: {  	v58 =	vor.u32 $0x10, v5;
	v2 =	vadd.f32 v13, v47;
	v6 =	vmul.f32 v7, v39;
	v18 =	vld.idx.msk [tilespmem:v9+s26+$0x0], $0xffff  }
0x1bc: {  	v26 =	vor.u32 $0x12, v5;
	v13 =	vadd.f32 v4, v1;
	v4 =	vld.idx.msk [tilespmem:v12+s26+$0x0], $0xffff  }
0x1bd: {  	v21 =	vlaneseq.u32;
	v27 =	vor.u32 $0x12, v10;
	v6 =	vadd.f32 v6, v2;
	v2 =	vld.idx.msk [tilespmem:v15+s26+$0x0], $0xffff  }
0x1be: {  	v59 =	vmul.f32 v7, v36;
	v9 =	vmul.f32 v8, v41;
	v12 =	vor.u32 $0x10, v10;
	v1 =	vld.idx.msk [tilespmem:v16+s26+$0x0], $0xffff;
	[tilespmem:$0x1FE30] =	vst v20  }
0x1bf: {  	v25 =	vmul.f32 v60, v20;
	v8 =	vmul.f32 v8, v42;
	v15 =	vor.u32 $0x11, v5;
	v62 =	vld.idx.msk [tilespmem:v17+s26+$0x0], $0xffff  }
0x1c0: {  	v7 =	vmul.f32 v7, v37;
	v9 =	vadd.f32 v9, v46;
	v16 =	vor.u32 $0x11, v10;
	v61 =	vld.idx.msk [tilespmem:v58+s26+$0x0], $0xffff  }
0x1c1: {  	v5 =	vor.u32 $0x13, v5;
	v20 =	vor.u32 $0x13, v10;
	v17 =	vadd.f32 v8, v45;
	v54 =	vld.idx.msk [tilespmem:v26+s26+$0x0], $0xffff  }
0x1c2: {  	v53 =	vld.idx.msk [tilespmem:v27+s26+$0x0], $0xffff;
	v13 =	vadd.f32 v25, v13;
	v8 =	vadd.f32 v59, v9;
	v9 =	vshll.u32 v14, $0x6  }
0x1c3: {  	v10 =	vmul.f32 v11, v43;
	v7 =	vadd.f32 v7, v17;
	v50 =	vor.u32 v23, v9;
	v59 =	vld.idx.msk [tilespmem:v12+s26+$0x0], $0xffff  }
0x1c4: {  	v49 =	vor.u32 v24, v9;
	v63 =	vor.u32 v21, v9;
	v17 =	vmul.f32 v11, v40;
	v58 =	vld.idx.msk [tilespmem:v15+s26+$0x0], $0xffff  }
0x1c5: {  	v56 =	vor.u32 v22, v9;
	v55 =	vld.idx.msk [tilespmem:v16+s26+$0x0], $0xffff;
	v12 =	vmul.f32 v11, v41;
	v15 =	vmul.f32 v11, v42  }
0x1c6: {  	v14 =	vmul.f32 v18, v39;
	v10 =	vadd.f32 v10, v47;
	v52 =	vld.idx.msk [tilespmem:v5+s26+$0x0], $0xffff;
	v16 =	vmul.f32 v18, v37  }
0x1c7: {  	v51 =	vld.idx.msk [tilespmem:v20+s26+$0x0], $0xffff;
	v9 =	vadd.f32 v12, v46;
	v11 =	vadd.f32 v15, v45;
	v15 =	vmul.f32 v18, v36  }
0x1c8: {  	s0 =	simm.s32 $0x4;
	s6 =	simm.s32 $0x5680;
	s2 =	simm.s32 $0x3;
	[tilespmem:$0x1FE40] =	vst v19;
	v12 =	vadd.f32 v17, v44;
	v17 =	vmul.f32 v18, v38;
	v18 =	vmul.f32 v61, v19  }
.LBB2_4:
0x1c9: {  	v24 =	vld [tilespmem:$0x1FD90];
	_ =	sdelay $0x1  }
0x1ca: {  	v26 =	vld [tilespmem:$0x1FDD0];
	_ =	sdelay $0x1  }
0x1cb: {  	v25 =	vld [tilespmem:$0x1FE10]  }
0x1cc: {  	v13 =	vadd.f32 v18, v13;
	v18 =	vmul.f32 v58, v24;
	_ =	sdelay $0x1  }
0x1cd: {  	v9 =	vadd.f32 v15, v9;
	v15 =	vmul.f32 v54, v26;
	v13 =	vadd.f32 v18, v13;
	_ =	sdelay $0x1  }
0x1ce: {  	v13 =	vadd.f32 v15, v13;
	v15 =	vmul.f32 v52, v25  }
0x1cf: {  	v11 =	vadd.f32 v16, v11;
	v16 =	vmul.f32 v3, v32  }
0x1d0: {  	v13 =	vadd.f32 v15, v13;
	v15 =	vld [tilespmem:$0x1FCB0]  }
0x1d1: {  	v5 =	vmov s2;
	v8 =	vadd.f32 v16, v8;
	v16 =	vld [tilespmem:$0x1FCC0]  }
0x1d2: {  	v10 =	vadd.f32 v14, v10;
	v14 =	vmul.f32 v3, v35;
	v3 =	vmul.f32 v3, v33  }
0x1d3: {  	v19 =	vmul.f32 v4, v32;
	v12 =	vadd.f32 v17, v12  }
0x1d4: {  	v20 =	vmul.f32 v4, v33;
	v6 =	vadd.f32 v14, v6;
	v3 =	vadd.f32 v3, v7  }
0x1d5: {  	v7 =	vmul.f32 v0, v31;
	v9 =	vadd.f32 v19, v9;
	v14 =	vmul.f32 v0, v15  }
0x1d6: {  	v18 =	vld.idx.msk [tilespmem:v5+s17+$0x0], $0xffff;
	[tilespmem:s1+$0x70] =	vst v13;
	v0 =	vmul.f32 v0, v16;
	v13 =	vmul.f32 v2, v15  }
0x1d7: {  	v17 =	vmul.f32 v4, v35;
	v11 =	vadd.f32 v20, v11;
	v15 =	vmul.f32 v2, v16;
	v16 =	vld [tilespmem:$0x1FCF0]  }
0x1d8: {  	v4 =	vmul.f32 v4, v34;
	v0 =	vadd.f32 v0, v3;
	v3 =	vadd.f32 v13, v9;
	v13 =	vld [tilespmem:$0x1FCD0]  }
0x1d9: {  	v9 =	vadd.f32 v15, v11;
	v15 =	vld [tilespmem:$0x1FCE0]  }
0x1da: {  	v21 =	vlaneseq.u32;
	v10 =	vadd.f32 v17, v10;
	v4 =	vadd.f32 v4, v12  }
0x1db: {  	v12 =	vmul.f32 v2, v31;
	v6 =	vadd.f32 v7, v6;
	v7 =	vshll.u32 v18, $0x6;
	v18 =	vld [tilespmem:$0x1FD00]  }
0x1dc: {  	v29 =	vld [tilespmem:$0x1FE20];
	v2 =	vmul.f32 v2, v30;
	v8 =	vadd.f32 v14, v8;
	v14 =	vor.u32 v21, v7  }
0x1dd: {  	v22 =	vld [tilespmem:$0x1FFD0];
	v10 =	vadd.f32 v12, v10;
	v12 =	vmul.f32 v57, v16  }
0x1de: {  	v17 =	vld [tilespmem:$0x1FD20];
	v2 =	vadd.f32 v2, v4;
	v11 =	vmul.f32 v57, v13;
	v4 =	vmul.f32 v57, v15  }
0x1df: {  	v28 =	vld [tilespmem:$0x1FE30];
	v13 =	vmul.f32 v1, v13;
	v15 =	vmul.f32 v1, v15  }
0x1e0: {  	v0 =	vadd.f32 v12, v0;
	v12 =	vmul.f32 v60, v18;
	v6 =	vadd.f32 v11, v6  }
0x1e1: {  	v11 =	vmul.f32 v1, v16;
	v1 =	vmul.f32 v1, v29;
	v4 =	vadd.f32 v4, v8;
	v8 =	vld.idx.msk [tilespmem:v14+s20+$0x0], $0xffff  }
0x1e2: {  	v10 =	vadd.f32 v13, v10;
	v3 =	vadd.f32 v15, v3;
	v16 =	vld [tilespmem:$0x1FD10];
	v14 =	vor.u32 v22, v7  }
0x1e3: {  	v13 =	vld.idx.msk [tilespmem:v63+s20+$0x0], $0xffff;
	v15 =	vmul.f32 v62, v18;
	v1 =	vadd.f32 v1, v2;
	v2 =	vmul.f32 v60, v17  }
0x1e4: {  	v23 =	vld [tilespmem:$0x1FFE0];
	v6 =	vadd.f32 v12, v6;
	v12 =	vmul.f32 v62, v17;
	v17 =	vmul.f32 v62, v28  }
0x1e5: {  	v10 =	vadd.f32 v15, v10;
	v15 =	vld [tilespmem:$0x1FD30]  }
0x1e6: {  	s1 =	sadd.s32 $0x100, s1;
	v9 =	vadd.f32 v11, v9;
	v1 =	vadd.f32 v17, v1;
	v17 =	vld [tilespmem:$0x1FD50]  }
0x1e7: {  	v27 =	vld [tilespmem:$0x1FE40];
	v11 =	vmul.f32 v60, v16;
	[tilespmem:s1+$0x0] =	vst v8  }
0x1e8: {  	v16 =	vmul.f32 v62, v16;
	v8 =	vadd.f32 v12, v9;
	[tilespmem:s1+$0xFFFFFF80] =	vst v13;
	v12 =	vld.idx.msk [tilespmem:v14+s20+$0x0], $0xffff  }
0x1e9: {  	v14 =	vld.idx.msk [tilespmem:v56+s20+$0x0], $0xffff  }
0x1ea: {  	v0 =	vadd.f32 v2, v0;
	v2 =	vmul.f32 v61, v15;
	v3 =	vadd.f32 v16, v3;
	v16 =	vld [tilespmem:$0x1FD40]  }
0x1eb: {  	v13 =	vmul.f32 v61, v17;
	v17 =	vmul.f32 v59, v17;
	_ =	sdelay $0x1  }
0x1ec: {  	v2 =	vadd.f32 v2, v6;
	v6 =	vor.u32 v23, v7;
	v8 =	vadd.f32 v17, v8;
	v17 =	vld [tilespmem:$0x1FD80]  }
0x1ed: {  	v18 =	vmul.f32 v59, v27  }
0x1ee: {  	v19 =	vld [tilespmem:$0x1FD60];
	[tilespmem:s1+$0xFFFFFF90] =	vst v14;
	v9 =	vmul.f32 v61, v16;
	v16 =	vmul.f32 v59, v16  }
0x1ef: {  	v1 =	vadd.f32 v18, v1;
	v15 =	vmul.f32 v59, v15;
	v18 =	vld.idx.msk [tilespmem:v50+s20+$0x0], $0xffff  }
0x1f0: {  	[tilespmem:s1+$0x10] =	vst v12;
	v3 =	vadd.f32 v16, v3;
	v16 =	vld [tilespmem:$0x1FD70]  }
0x1f1: {  	v10 =	vadd.f32 v15, v10;
	v0 =	vadd.f32 v13, v0;
	v6 =	vld.idx.msk [tilespmem:v6+s20+$0x0], $0xffff;
	v15 =	vmul.f32 v58, v17  }
0x1f2: {  	v4 =	vadd.f32 v11, v4;
	v14 =	vmul.f32 v55, v17;
	v17 =	vmul.f32 v55, v24;
	v24 =	vld [tilespmem:$0x1FFF0]  }
0x1f3: {  	v20 =	vmul.f32 v51, v25;
	v12 =	vmul.f32 v55, v19;
	v0 =	vadd.f32 v15, v0;
	v15 =	vld [tilespmem:$0x1FDA0]  }
0x1f4: {  	v4 =	vadd.f32 v9, v4;
	v9 =	vmul.f32 v58, v19;
	v8 =	vadd.f32 v14, v8;
	v14 =	vld [tilespmem:$0x1FDB0]  }
0x1f5: {  	v5 =	vshll.u32 v5, $0x5;
	v13 =	vmul.f32 v58, v16;
	v16 =	vmul.f32 v55, v16  }
0x1f6: {  	v11 =	vmov s0;
	v10 =	vadd.f32 v12, v10;
	v1 =	vadd.f32 v17, v1;
	v17 =	vld [tilespmem:$0x1FDF0]  }
0x1f7: {  	v2 =	vadd.f32 v9, v2;
	v7 =	vor.u32 v24, v7;
	v3 =	vadd.f32 v16, v3;
	v16 =	vld [tilespmem:$0x1FDE0]  }
0x1f8: {  	[tilespmem:s1+$0xFFFFFFA0] =	vst v18;
	v4 =	vadd.f32 v13, v4;
	v13 =	vmul.f32 v54, v15;
	v12 =	vmul.f32 v53, v15;
	v15 =	vld [tilespmem:$0x1FDC0]  }
0x1f9: {  	v9 =	vshll.u32 v48, $0x5;
	v48 =	vmovc v11;
	[tilespmem:s1+$0x20] =	vst v6;
	v11 =	vmul.f32 v54, v14;
	v14 =	vmul.f32 v53, v14  }
0x1fa: {  	v2 =	vadd.f32 v13, v2;
	v6 =	vadd.f32 v12, v10;
	v10 =	vmul.f32 v53, v26;
	v12 =	vld.idx.msk [tilespmem:v49+s20+$0x0], $0xffff  }
0x1fb: {  	v19 =	vld [tilespmem:$0x1FE00];
	v4 =	vadd.f32 v11, v4;
	v11 =	vor.u32 $0xA, v9;
	v3 =	vadd.f32 v14, v3  }
0x1fc: {  	v14 =	vmul.f32 v52, v17;
	v7 =	vld.idx.msk [tilespmem:v7+s20+$0x0], $0xffff;
	v1 =	vadd.f32 v10, v1;
	v10 =	vmul.f32 v52, v16  }
0x1fd: {  	v61 =	vor.u32 $0xB, v9;
	v16 =	vmul.f32 v51, v16;
	v13 =	vmul.f32 v54, v15  }
0x1fe: {  	v17 =	vmul.f32 v51, v17;
	v15 =	vmul.f32 v53, v15;
	v2 =	vadd.f32 v10, v2  }
0x1ff: {  	v10 =	vld.idx.msk [tilespmem:v48+s17+$0x0], $0xffff;
	v6 =	vadd.f32 v16, v6;
	v0 =	vadd.f32 v13, v0;
	v13 =	vor.u32 $0xA, v5;
	[tilespmem:s1+$0xFFFFFFB0] =	vst v12  }
0x200: {  	v8 =	vadd.f32 v15, v8;
	v15 =	vmul.f32 v52, v19;
	v12 =	vor.u32 $0xC, v9;
	[tilespmem:s6+$0x40] =	vst v2  }
0x201: {  	v19 =	vmul.f32 v51, v19;
	v11 =	vld.idx.msk [tilespmem:v11+s26+$0x0], $0xffff;
	[tilespmem:s1+$0x30] =	vst v7;
	v7 =	vadd.f32 v17, v3  }
0x202: {  	v18 =	vor.u32 $0xB, v5;
	v4 =	vadd.f32 v14, v4;
	v1 =	vadd.f32 v20, v1;
	v20 =	vld.idx.msk [tilespmem:v61+s26+$0x0], $0xffff;
	[tilespmem:s6+$0xFFFFFFC0] =	vst v6  }
0x203: {  	v6 =	vor.u32 $0xE, v9;
	v8 =	vadd.f32 v19, v8;
	[tilespmem:s6+$0xFFFFFFD0] =	vst v7  }
0x204: {  	v2 =	vor.u32 $0xC, v5;
	v13 =	vld.idx.msk [tilespmem:v13+s26+$0x0], $0xffff;
	[tilespmem:s6+$0x50] =	vst v4  }
0x205: {  	v14 =	vor.u32 $0xD, v5;
	v16 =	vor.u32 $0x11, v9;
	v0 =	vadd.f32 v15, v0;
	v4 =	vld.idx.msk [tilespmem:v12+s26+$0x0], $0xffff;
	[tilespmem:s6+$0xFFFFFFE0] =	vst v8  }
0x206: {  	v51 =	vor.u32 $0x10, v9;
	v19 =	vor.u32 $0x13, v9;
	v15 =	vor.u32 $0xD, v9;
	[tilespmem:s6+$0xFFFFFFF0] =	vst v1  }
0x207: {  	v17 =	vor.u32 $0x12, v9;
	v7 =	vor.u32 $0xF, v5;
	v18 =	vld.idx.msk [tilespmem:v18+s26+$0x0], $0xffff;
	[tilespmem:s6+$0x60] =	vst v0;
	v0 =	vshll.u32 v10, $0x6  }
0x208: {  	v10 =	vor.u32 $0xE, v5;
	v52 =	vmul.f32 v11, v43;
	v59 =	vmul.f32 v11, v41;
	v1 =	vld.idx.msk [tilespmem:v6+s26+$0x0], $0xffff  }
0x209: {  	v55 =	vmul.f32 v11, v42;
	v6 =	vor.u32 $0x11, v5;
	v50 =	vor.u32 v23, v0;
	v3 =	vld.idx.msk [tilespmem:v2+s26+$0x0], $0xffff  }
0x20a: {  	v49 =	vor.u32 v24, v0;
	v63 =	vor.u32 v21, v0;
	v56 =	vor.u32 v22, v0;
	v0 =	vld.idx.msk [tilespmem:v14+s26+$0x0], $0xffff  }
0x20b: {  	v8 =	vor.u32 $0xF, v9;
	v2 =	vld.idx.msk [tilespmem:v15+s26+$0x0], $0xffff;
	v21 =	vmul.f32 v11, v40;
	v12 =	vmul.f32 v13, v40  }
0x20c: {  	v15 =	vor.u32 $0x10, v5;
	v53 =	vld.idx.msk [tilespmem:v17+s26+$0x0], $0xffff;
	v17 =	vmul.f32 v20, v38;
	v9 =	vmul.f32 v13, v43  }
0x20d: {  	v14 =	vmul.f32 v13, v41;
	v62 =	vmul.f32 v18, v38;
	v57 =	vld.idx.msk [tilespmem:v10+s26+$0x0], $0xffff;
	v12 =	vadd.f32 v12, v44  }
0x20e: {  	v24 =	vlaneseq.u32;
	v13 =	vmul.f32 v13, v42;
	v58 =	vld.idx.msk [tilespmem:v6+s26+$0x0], $0xffff;
	v6 =	vmul.f32 v18, v39  }
0x20f: {  	v23 =	vmul.f32 v18, v37;
	v11 =	vmul.f32 v3, v34;
	v10 =	vadd.f32 v62, v12  }
0x210: {  	v60 =	vld.idx.msk [tilespmem:v7+s26+$0x0], $0xffff;
	v7 =	vadd.f32 v9, v47;
	v22 =	vadd.f32 v13, v45;
	v13 =	vmul.f32 v0, v30  }
0x211: {  	v62 =	vld.idx.msk [tilespmem:v8+s26+$0x0], $0xffff;
	v8 =	vadd.f32 v14, v46;
	v14 =	vor.u32 $0x12, v5;
	v12 =	vadd.f32 v11, v10  }
0x212: {  	p0 =	slt.u32 s0, $0x1FE;
	v61 =	vld.idx.msk [tilespmem:v15+s26+$0x0], $0xffff;
	v9 =	vadd.f32 v59, v46;
	v5 =	vor.u32 $0x13, v5;
	v6 =	vadd.f32 v6, v7  }
.Ltmp1:
0x213: {  	v59 =	vld.idx.msk [tilespmem:v51+s26+$0x0], $0xffff;
	v7 =	vadd.f32 v23, v22;
	v15 =	vmul.f32 v57, v29;
	v13 =	vadd.f32 v13, v12;
	(pc) =	sbr.rel @p0 .LBB2_4-.Ltmp1, $4  }
0x214: {  	v11 =	vadd.f32 v55, v45;
	v55 =	vld.idx.msk [tilespmem:v16+s26+$0x0], $0xffff;
	v16 =	vmul.f32 v20, v37;
	v12 =	vadd.f32 v21, v44  }
0x215: {  	v51 =	vld.idx.msk [tilespmem:v19+s26+$0x0], $0xffff;
	v21 =	vmul.f32 v18, v36;
	v18 =	vmul.f32 v60, v28;
	v13 =	vadd.f32 v15, v13  }
0x216: {  	v10 =	vadd.f32 v52, v47;
	v54 =	vld.idx.msk [tilespmem:v14+s26+$0x0], $0xffff;
	v14 =	vmul.f32 v20, v39;
	v15 =	vmul.f32 v20, v36  }
0x217: {  	s2 =	sadd.s32 $0x1, s0;
	s0 =	sadd.s32 $0x2, s0;
	s6 =	smov.u32 s1;
	v52 =	vld.idx.msk [tilespmem:v5+s26+$0x0], $0xffff;
	v8 =	vadd.f32 v21, v8;
	v13 =	vadd.f32 v18, v13;
	v18 =	vmul.f32 v61, v27  }
0x218: {  	v21 =	vld [tilespmem:$0x1FD90];
	_ =	sdelay $0x1  }
0x219: {  	v20 =	vld [tilespmem:$0x1FDD0];
	_ =	sdelay $0x1  }
0x21a: {  	v19 =	vld [tilespmem:$0x1FE10]  }
0x21b: {  	v5 =	vadd.f32 v18, v13;
	v27 =	vmul.f32 v58, v21;
	_ =	sdelay $0x1  }
0x21c: {  	v28 =	vmul.f32 v54, v20;
	v5 =	vadd.f32 v27, v5;
	_ =	sdelay $0x1  }
0x21d: {  	v18 =	vmov s2;
	v23 =	vmul.f32 v52, v19;
	v5 =	vadd.f32 v28, v5  }
0x21e: {  	v11 =	vadd.f32 v16, v11;
	v28 =	vmul.f32 v4, v33  }
0x21f: {  	v5 =	vadd.f32 v23, v5  }
0x220: {  	v11 =	vadd.f32 v28, v11;
	v28 =	vld [tilespmem:$0x1FCB0]  }
0x221: {  	v9 =	vadd.f32 v15, v9;
	v27 =	vmul.f32 v4, v32;
	[tilespmem:$0x1FC90] =	vst v5  }
0x222: {  	v29 =	vmul.f32 v3, v35;
	v5 =	vld.idx.msk [tilespmem:v18+s17+$0x0], $0xffff  }
0x223: {  	v22 =	vmul.f32 v3, v32;
	v9 =	vadd.f32 v27, v9;
	v27 =	vld [tilespmem:$0x1FCC0]  }
0x224: {  	v12 =	vadd.f32 v17, v12;
	v6 =	vadd.f32 v29, v6;
	v29 =	vmul.f32 v4, v34  }
0x225: {  	v26 =	vmul.f32 v3, v33;
	v8 =	vadd.f32 v22, v8;
	v16 =	vmul.f32 v0, v28  }
0x226: {  	v10 =	vadd.f32 v14, v10;
	v25 =	vmul.f32 v4, v35;
	v4 =	vadd.f32 v29, v12;
	v29 =	vld [tilespmem:$0x1FCD0]  }
0x227: {  	v3 =	vadd.f32 v26, v7;
	v7 =	vadd.f32 v16, v8;
	v16 =	vld [tilespmem:$0x1FCE0];
	v5 =	vshll.u32 v5, $0x6  }
0x228: {  	v17 =	vmul.f32 v0, v27;
	v13 =	vor.u32 v24, v5;
	v24 =	vmul.f32 v2, v27  }
0x229: {  	v15 =	vmul.f32 v0, v31;
	v10 =	vadd.f32 v25, v10  }
0x22a: {  	v22 =	vmul.f32 v2, v31;
	v0 =	vadd.f32 v17, v3;
	v3 =	vadd.f32 v24, v11;
	v24 =	vld [tilespmem:$0x1FCF0]  }
0x22b: {  	v25 =	vmul.f32 v2, v30;
	v6 =	vadd.f32 v15, v6;
	v26 =	vmul.f32 v57, v29  }
0x22c: {  	v10 =	vadd.f32 v22, v10;
	v22 =	vmul.f32 v1, v29;
	v17 =	vmul.f32 v57, v16  }
0x22d: {  	v23 =	vmul.f32 v2, v28;
	v2 =	vadd.f32 v25, v4;
	v4 =	vadd.f32 v26, v6  }
0x22e: {  	v6 =	vadd.f32 v17, v7;
	v7 =	vadd.f32 v22, v10;
	v10 =	vld.idx.msk [tilespmem:v13+s20+$0x0], $0xffff  }
0x22f: {  	v8 =	vadd.f32 v23, v9;
	v23 =	vmul.f32 v57, v24;
	v57 =	vld [tilespmem:$0x1FFD0]  }
0x230: {  	v25 =	vmul.f32 v1, v16;
	v22 =	vld [tilespmem:$0x1FD00]  }
0x231: {  	v16 =	vld [tilespmem:$0x1FE20]  }
0x232: {  	s0 =	sadd.s32 $0x100, s1;
	v8 =	vadd.f32 v25, v8;
	v25 =	vld [tilespmem:$0x1FD10]  }
0x233: {  	v9 =	vld.idx.msk [tilespmem:v63+s20+$0x0], $0xffff;
	[tilespmem:s0+$0x0] =	vst v10  }
0x234: {  	v26 =	vmul.f32 v1, v24;
	v63 =	vld [tilespmem:$0x1FD20];
	v13 =	vor.u32 v57, v5  }
0x235: {  	v0 =	vadd.f32 v23, v0;
	v23 =	vmul.f32 v60, v22;
	v57 =	vmul.f32 v62, v22;
	v22 =	vld [tilespmem:$0x1FE30]  }
0x236: {  	v17 =	vmul.f32 v1, v16  }
0x237: {  	v3 =	vadd.f32 v26, v3;
	v26 =	vmul.f32 v60, v25;
	v16 =	vmul.f32 v62, v25;
	v25 =	vld [tilespmem:$0x1FD30]  }
0x238: {  	v1 =	vadd.f32 v17, v2;
	v2 =	vadd.f32 v23, v4;
	v23 =	vld [tilespmem:$0x1FFE0]  }
0x239: {  	v4 =	vadd.f32 v57, v7;
	v60 =	vmul.f32 v60, v63;
	v7 =	vld.idx.msk [tilespmem:v13+s20+$0x0], $0xffff  }
0x23a: {  	v17 =	vmul.f32 v62, v63;
	v10 =	vmul.f32 v62, v22;
	v62 =	vld [tilespmem:$0x1FD40]  }
0x23b: {  	v0 =	vadd.f32 v60, v0;
	v60 =	vld [tilespmem:$0x1FD50];
	_ =	sdelay $0x2  }
0x23c: {  	[tilespmem:s0+$0xFFFFFF80] =	vst v9  }
0x23d: {  	v6 =	vadd.f32 v26, v6;
	v13 =	vor.u32 v23, v5;
	v57 =	vmul.f32 v61, v62;
	[tilespmem:s0+$0x10] =	vst v7  }
0x23e: {  	v26 =	vmul.f32 v61, v25;
	v22 =	vmul.f32 v61, v60;
	v61 =	vld [tilespmem:$0x1FFF0]  }
0x23f: {  	v6 =	vadd.f32 v57, v6;
	v57 =	vmul.f32 v59, v60;
	v60 =	vld [tilespmem:$0x1FE40];
	_ =	sdelay $0x1  }
0x240: {  	v2 =	vadd.f32 v26, v2;
	v26 =	vld.idx.msk [tilespmem:v56+s20+$0x0], $0xffff  }
0x241: {  	v9 =	vld.idx.msk [tilespmem:v13+s20+$0x0], $0xffff  }
0x242: {  	v23 =	vmul.f32 v59, v25;
	v5 =	vor.u32 v61, v5;
	v61 =	vld [tilespmem:$0x1FD60]  }
0x243: {  	v25 =	vmul.f32 v59, v62;
	v11 =	vmul.f32 v59, v60;
	v59 =	vld [tilespmem:$0x1FD70]  }
0x244: {  	v60 =	vld [tilespmem:$0x1FD80]  }
0x245: {  	[tilespmem:s0+$0xFFFFFF90] =	vst v26  }
0x246: {  	v12 =	vshll.u32 v18, $0x5;
	v8 =	vadd.f32 v16, v8;
	v3 =	vadd.f32 v17, v3;
	[tilespmem:s0+$0x20] =	vst v9;
	v26 =	vld.idx.msk [tilespmem:v50+s20+$0x0], $0xffff  }
0x247: {  	v1 =	vadd.f32 v10, v1;
	v4 =	vadd.f32 v23, v4;
	v56 =	vld [tilespmem:$0x1FDB0];
	v16 =	vmul.f32 v58, v61  }
0x248: {  	v8 =	vadd.f32 v25, v8;
	v23 =	vmul.f32 v55, v61;
	v5 =	vld.idx.msk [tilespmem:v5+s20+$0x0], $0xffff;
	v25 =	vmul.f32 v55, v59  }
0x249: {  	v50 =	vmul.f32 v55, v60;
	v2 =	vadd.f32 v16, v2;
	v16 =	vmul.f32 v55, v21;
	v55 =	vld [tilespmem:$0x1FDC0]  }
0x24a: {  	v14 =	vor.u32 $0xB, v12;
	v18 =	vor.u32 $0xA, v12;
	v3 =	vadd.f32 v57, v3;
	v57 =	vld [tilespmem:$0x1FDA0]  }
0x24b: {  	v0 =	vadd.f32 v22, v0;
	v1 =	vadd.f32 v11, v1;
	v17 =	vmul.f32 v58, v59  }
0x24c: {  	v22 =	vmul.f32 v58, v60;
	[tilespmem:s0+$0xFFFFFFA0] =	vst v26;
	v26 =	vmul.f32 v53, v56;
	v8 =	vadd.f32 v25, v8  }
0x24d: {  	v10 =	vor.u32 $0xD, v12;
	v4 =	vadd.f32 v23, v4;
	v6 =	vadd.f32 v17, v6;
	v15 =	vld.idx.msk [tilespmem:v49+s20+$0x0], $0xffff;
	[tilespmem:s0+$0x30] =	vst v5  }
0x24e: {  	v7 =	vadd.f32 v22, v0;
	v8 =	vadd.f32 v26, v8;
	v26 =	vld [tilespmem:$0x1FDE0];
	v25 =	vmul.f32 v54, v55  }
0x24f: {  	v17 =	vmul.f32 v54, v57;
	v3 =	vadd.f32 v50, v3;
	v13 =	vld.idx.msk [tilespmem:v18+s26+$0x0], $0xffff;
	v50 =	vmul.f32 v53, v55  }
0x250: {  	v23 =	vmul.f32 v53, v57;
	v22 =	vmul.f32 v54, v56;
	v7 =	vadd.f32 v25, v7;
	v25 =	vld [tilespmem:$0x1FDF0]  }
0x251: {  	v0 =	vshll.u32 v48, $0x5;
	v2 =	vadd.f32 v17, v2;
	v17 =	vadd.f32 v50, v3;
	v50 =	vld [tilespmem:$0x1FE00]  }
0x252: {  	v1 =	vadd.f32 v16, v1;
	v16 =	vor.u32 $0xA, v0;
	v54 =	vmovc v20;
	v20 =	vmul.f32 v53, v20  }
0x253: {  	v58 =	vmovc v21;
	v21 =	vor.u32 $0xC, v12;
	v11 =	vadd.f32 v23, v4;
	v18 =	vmul.f32 v51, v26  }
0x254: {  	v9 =	vor.u32 $0xF, v12;
	v6 =	vadd.f32 v22, v6;
	v5 =	vadd.f32 v20, v1  }
0x255: {  	v14 =	vld.idx.msk [tilespmem:v14+s26+$0x0], $0xffff;
	v22 =	vmul.f32 v52, v26;
	v3 =	vadd.f32 v18, v11;
	v18 =	vmul.f32 v13, v41  }
0x256: {  	[tilespmem:s0+$0xFFFFFFB0] =	vst v15;
	v15 =	vor.u32 $0xE, v12;
	v23 =	vmul.f32 v52, v25;
	v53 =	vmul.f32 v52, v50  }
0x257: {  	v49 =	vadd.f32 v22, v2;
	v11 =	vld.idx.msk [tilespmem:v16+s26+$0x0], $0xffff;
	v20 =	vmul.f32 v51, v25;
	v22 =	vmul.f32 v51, v50  }
0x258: {  	v52 =	vmovc v19;
	v51 =	vmul.f32 v51, v19;
	v19 =	vor.u32 $0x10, v12;
	v48 =	vadd.f32 v23, v6;
	v6 =	vld.idx.msk [tilespmem:v21+s26+$0x0], $0xffff  }
0x259: {  	v18 =	vadd.f32 v18, v46;
	v4 =	vadd.f32 v53, v7;
	v21 =	vmul.f32 v13, v40  }
0x25a: {  	v1 =	vadd.f32 v20, v8;
	v23 =	vmul.f32 v14, v38;
	v8 =	vor.u32 $0xB, v0  }
0x25b: {  	v10 =	vld.idx.msk [tilespmem:v10+s26+$0x0], $0xffff;
	v2 =	vadd.f32 v22, v17;
	v22 =	vor.u32 $0x11, v12;
	v7 =	vadd.f32 v21, v44  }
0x25c: {  	v9 =	vld.idx.msk [tilespmem:v9+s26+$0x0], $0xffff;
	v17 =	vmul.f32 v13, v43;
	v5 =	vadd.f32 v51, v5;
	v43 =	vmul.f32 v11, v43  }
0x25d: {  	v15 =	vld.idx.msk [tilespmem:v15+s26+$0x0], $0xffff;
	v13 =	vmul.f32 v13, v42;
	v7 =	vadd.f32 v23, v7;
	v53 =	vmul.f32 v6, v34  }
0x25e: {  	v51 =	vmul.f32 v11, v41;
	v17 =	vadd.f32 v17, v47;
	v16 =	vadd.f32 v43, v47;
	v43 =	vld [tilespmem:$0x1FE20]  }
0x25f: {  	v8 =	vld.idx.msk [tilespmem:v8+s26+$0x0], $0xffff;
	v7 =	vadd.f32 v53, v7;
	v53 =	vmul.f32 v11, v42;
	v11 =	vmul.f32 v11, v40  }
0x260: {  	v13 =	vadd.f32 v13, v45;
	v23 =	vmul.f32 v10, v30;
	v22 =	vld.idx.msk [tilespmem:v22+s26+$0x0], $0xffff;
	v40 =	vor.u32 $0xC, v0  }
0x261: {  	v20 =	vadd.f32 v51, v46;
	v46 =	vmul.f32 v6, v35;
	v11 =	vadd.f32 v11, v44;
	v44 =	vld [tilespmem:$0x1FE30]  }
0x262: {  	v19 =	vld.idx.msk [tilespmem:v19+s26+$0x0], $0xffff;
	v7 =	vadd.f32 v23, v7;
	v21 =	vadd.f32 v53, v45;
	v53 =	vmul.f32 v14, v39  }
0x263: {  	v23 =	vor.u32 $0x12, v12;
	v51 =	vmul.f32 v15, v43;
	v12 =	vor.u32 $0x13, v12;
	v45 =	vld [tilespmem:$0x1FE40]  }
0x264: {  	v17 =	vadd.f32 v53, v17;
	v53 =	vmul.f32 v14, v36;
	v14 =	vmul.f32 v14, v37  }
0x265: {  	v39 =	vmul.f32 v8, v39;
	v41 =	vmul.f32 v22, v58;
	v7 =	vadd.f32 v51, v7;
	v40 =	vld.idx.msk [tilespmem:v40+s26+$0x0], $0xffff  }
0x266: {  	v18 =	vadd.f32 v53, v18;
	v13 =	vadd.f32 v14, v13;
	v51 =	vmul.f32 v9, v44  }
0x267: {  	v53 =	vmul.f32 v8, v37;
	v14 =	vadd.f32 v39, v16;
	v17 =	vadd.f32 v46, v17  }
0x268: {  	v23 =	vld.idx.msk [tilespmem:v23+s26+$0x0], $0xffff;
	v47 =	vmul.f32 v19, v45;
	v7 =	vadd.f32 v51, v7;
	v51 =	vmul.f32 v8, v36  }
0x269: {  	v8 =	vmul.f32 v8, v38;
	v36 =	vld.idx.msk [tilespmem:v12+s26+$0x0], $0xffff;
	v12 =	vor.u32 $0xD, v0;
	v38 =	vmul.f32 v10, v28  }
0x26a: {  	v21 =	vadd.f32 v53, v21;
	v53 =	vmul.f32 v40, v35;
	v42 =	vmul.f32 v40, v32  }
0x26b: {  	v46 =	vmul.f32 v40, v33;
	v7 =	vadd.f32 v47, v7;
	v20 =	vadd.f32 v51, v20  }
0x26c: {  	v51 =	vmul.f32 v6, v32;
	v8 =	vadd.f32 v8, v11;
	v6 =	vmul.f32 v6, v33  }
0x26d: {  	v32 =	vld [tilespmem:$0x1FCE0];
	v47 =	vmul.f32 v23, v54;
	v11 =	vadd.f32 v53, v14;
	v37 =	vadd.f32 v46, v21  }
0x26e: {  	v7 =	vadd.f32 v41, v7;
	v41 =	vor.u32 $0xE, v0;
	v18 =	vadd.f32 v51, v18;
	v12 =	vld.idx.msk [tilespmem:v12+s26+$0x0], $0xffff  }
0x26f: {  	v6 =	vadd.f32 v6, v13;
	v51 =	vmul.f32 v10, v31;
	v53 =	vadd.f32 v42, v20  }
0x270: {  	v10 =	vmul.f32 v10, v27;
	v39 =	vmul.f32 v36, v52;
	v7 =	vadd.f32 v47, v7  }
0x271: {  	v47 =	vmul.f32 v40, v34;
	v13 =	vadd.f32 v51, v17;
	v34 =	vor.u32 $0x10, v0  }
0x272: {  	v18 =	vadd.f32 v38, v18;
	v6 =	vadd.f32 v10, v6;
	v38 =	vld [tilespmem:$0x1FD00];
	v33 =	vmul.f32 v15, v32  }
0x273: {  	v7 =	vadd.f32 v39, v7;
	v39 =	vor.u32 $0xF, v0;
	v40 =	vld.idx.msk [tilespmem:v41+s26+$0x0], $0xffff;
	v41 =	vmul.f32 v12, v31  }
0x274: {  	v8 =	vadd.f32 v47, v8;
	v42 =	vmul.f32 v12, v28;
	v46 =	vmul.f32 v12, v27  }
0x275: {  	v12 =	vmul.f32 v12, v30;
	v28 =	vmul.f32 v19, v62;
	v30 =	vld [tilespmem:$0x1FD50];
	v11 =	vadd.f32 v41, v11  }
0x276: {  	v20 =	vld.idx.msk [tilespmem:v34+s26+$0x0], $0xffff;
	v34 =	vmul.f32 v22, v61;
	v47 =	vadd.f32 v42, v53;
	v51 =	vadd.f32 v46, v37  }
0x277: {  	v53 =	vmul.f32 v15, v29;
	v8 =	vadd.f32 v12, v8;
	v15 =	vmul.f32 v15, v24  }
0x278: {  	v12 =	vadd.f32 v33, v18;
	v42 =	vor.u32 $0x11, v0;
	v17 =	vld.idx.msk [tilespmem:v39+s26+$0x0], $0xffff;
	v39 =	vmul.f32 v9, v38  }
0x279: {  	v35 =	vmul.f32 v40, v29;
	v13 =	vadd.f32 v53, v13;
	v37 =	vmul.f32 v40, v32  }
0x27a: {  	v24 =	vmul.f32 v40, v24;
	v21 =	vmul.f32 v40, v43;
	v6 =	vadd.f32 v15, v6;
	v40 =	vld [tilespmem:$0x1FD10]  }
0x27b: {  	v31 =	vmul.f32 v19, v30;
	v11 =	vadd.f32 v35, v11;
	v10 =	vadd.f32 v37, v47  }
0x27c: {  	v53 =	vld [tilespmem:$0x1FD30];
	v8 =	vadd.f32 v21, v8;
	v33 =	vmul.f32 v20, v62;
	v21 =	vmul.f32 v20, v30  }
0x27d: {  	v14 =	vadd.f32 v24, v51;
	v35 =	vmul.f32 v22, v59;
	v43 =	vmul.f32 v17, v38  }
0x27e: {  	v13 =	vadd.f32 v39, v13;
	v47 =	vmul.f32 v17, v63;
	v38 =	vmul.f32 v22, v60  }
0x27f: {  	v51 =	vor.u32 $0x12, v0;
	v41 =	vmul.f32 v9, v40;
	v9 =	vmul.f32 v9, v63  }
0x280: {  	v0 =	vor.u32 $0x13, v0;
	v46 =	vmul.f32 v17, v40;
	v17 =	vmul.f32 v17, v44  }
0x281: {  	v29 =	vld.idx.msk [tilespmem:v42+s26+$0x0], $0xffff;
	v63 =	vmul.f32 v19, v53;
	v32 =	vmul.f32 v20, v53;
	v11 =	vadd.f32 v43, v11  }
0x282: {  	v37 =	vld [tilespmem:$0x1FC90];
	v20 =	vmul.f32 v20, v45;
	v14 =	vadd.f32 v47, v14;
	v12 =	vadd.f32 v41, v12  }
0x283: {  	v44 =	vmul.f32 v23, v56;
	v6 =	vadd.f32 v9, v6;
	v10 =	vadd.f32 v46, v10  }
0x284: {  	v43 =	vmul.f32 v23, v57;
	v8 =	vadd.f32 v17, v8;
	v13 =	vadd.f32 v63, v13  }
0x285: {  	v9 =	vld.idx.msk [tilespmem:v51+s26+$0x0], $0xffff;
	v51 =	vmul.f32 v36, v26;
	v11 =	vadd.f32 v32, v11;
	v14 =	vadd.f32 v21, v14  }
0x286: {  	[tilespmem:s6+$0xFFFFFFC0] =	vst v3;
	v39 =	vmul.f32 v29, v61;
	v40 =	vmul.f32 v29, v59;
	v12 =	vadd.f32 v28, v12  }
0x287: {  	[tilespmem:s1+$0x70] =	vst v37;
	v41 =	vmul.f32 v29, v60;
	v6 =	vadd.f32 v31, v6;
	v10 =	vadd.f32 v33, v10  }
0x288: {  	v0 =	vld.idx.msk [tilespmem:v0+s26+$0x0], $0xffff;
	v17 =	vmul.f32 v29, v58;
	v8 =	vadd.f32 v20, v8;
	v13 =	vadd.f32 v34, v13  }
0x289: {  	[tilespmem:s6+$0x50] =	vst v48;
	v48 =	vmul.f32 v23, v55;
	v42 =	vadd.f32 v39, v11;
	v14 =	vadd.f32 v41, v14  }
0x28a: {  	[tilespmem:s6+$0xFFFFFFD0] =	vst v1;
	v59 =	vmul.f32 v36, v50;
	v12 =	vadd.f32 v35, v12;
	v6 =	vadd.f32 v38, v6  }
0x28b: {  	[tilespmem:s6+$0xFFFFFFE0] =	vst v2;
	v10 =	vadd.f32 v40, v10;
	v46 =	vadd.f32 v17, v8;
	v45 =	vmul.f32 v9, v57  }
0x28c: {  	[tilespmem:s6+$0xFFFFFFF0] =	vst v5;
	v47 =	vadd.f32 v43, v13;
	v53 =	vmul.f32 v9, v56;
	v56 =	vmul.f32 v36, v25  }
0x28d: {  	[tilespmem:s6+$0x40] =	vst v49;
	v58 =	vmul.f32 v9, v55;
	v60 =	vmul.f32 v9, v54;
	v49 =	vadd.f32 v44, v12  }
0x28e: {  	[tilespmem:s0+$0x70] =	vst v7;
	v61 =	vmul.f32 v0, v26;
	v6 =	vadd.f32 v48, v6;
	v57 =	vadd.f32 v51, v47  }
0x28f: {  	[tilespmem:s6+$0x60] =	vst v4;
	v62 =	vmul.f32 v0, v25;
	v4 =	vadd.f32 v45, v42;
	v1 =	vadd.f32 v56, v49  }
0x290: {  	v63 =	vmul.f32 v0, v50;
	v2 =	vadd.f32 v53, v10;
	v6 =	vadd.f32 v59, v6;
	[tilespmem:s0+$0x40] =	vst v57  }
0x291: {  	v0 =	vmul.f32 v0, v52;
	v3 =	vadd.f32 v60, v46;
	v4 =	vadd.f32 v61, v4;
	[tilespmem:s0+$0x50] =	vst v1  }
0x292: {  	v8 =	vadd.f32 v58, v14;
	v2 =	vadd.f32 v62, v2;
	[tilespmem:s0+$0x60] =	vst v6  }
0x293: {  	v0 =	vadd.f32 v0, v3;
	[tilespmem:s0+$0xFFFFFFC0] =	vst v4  }
0x294: {  	s31 =	sadd.s32 $0x1, s31;
	v1 =	vadd.f32 v63, v8;
	[tilespmem:s0+$0xFFFFFFD0] =	vst v2  }
0x295: {  	p0 =	sne.s32 s31, s15;
	[tilespmem:s0+$0xFFFFFFF0] =	vst v0  }
.Ltmp2:
0x296: {  	[tilespmem:s0+$0xFFFFFFE0] =	vst v1;
	(pc) =	sbr.rel @p0 .LBB2_1-.Ltmp2, $4  }
0x297: {  	[hbm4b:s14+s5] =	stream.linear.scatter [tilespmem:s30], [sflag:$0x4], $0x10000, $0x38;
	[tilespmem:$0x15B80] =	vst v63  }
0x298: {  	_ =	swait.ge [sflag:s16], $0x10000  }
0x299: {  	[sflag:s16] =	ssyncset.done $0x0  }
0x29a: {  	[sflag:s16] =	ssyncadd.s32 $0xFFFF0000  }
0x29b: {  	_ =	sfence.sel $0x180000  }
0x29c: {  	[bflag:$0x0] =	sbarrier.arrive $0xFFFF  }
0x29d: {  	_ =	strace $0x90000047  }
0x29e: {  	s0 =	stileid.u32;
	[bflag:$0x2] =	sbarrier.arrive $0xFFFF  }
0x29f: {  	p0 =	sne.s32 s0, $0x0;
	s0 =	rddreg [dreg:$0x8]  }
0x2a0: {  	s0 =	sadd.s32 @!p0 $0x100000, s0  }
0x2a1: {  	[sflag:s0] =	ssyncadd.tile.s32 @!p0 $0x1;
	_ =	shalt  }
.Lfunc_end2:
_tile_overlayer_lowered:
.L_overlay_start_2:
0x2a2: {  	(tag) =	ssettag $0x2  }
0x2a3: {  	s0 =	rddreg [dreg:$0x0];
	s2 =	stileid.u32  }
0x2a4: {  	s1 =	rddreg [dreg:$0x1];
	p0 =	sne.s32 s2, $0x0  }
0x2a5: {  	s3 =	rddreg [dreg:$0x2];
	[bflag:$0x3] =	sbarrier.arrive $0xFFFF;
	s2 =	simm.s32 @!p0 $0x1C04  }
0x2a6: {  	[timem:s3], [sflag:s2] =	dma.local @!p0 [hbm:s0], s1  }
0x2a7: {  	s0 =	simm.s32 @!p0 $0x4  }
0x2a8: {  	_ =	swait.ge @!p0 [sflag:s0], s1  }
0x2a9: {  	s1 =	ssub.s32 @!p0 $0x0, s1;
	[sflag:s0] =	ssyncset.done @!p0 $0x0  }
0x2aa: {  	[sflag:s0] =	ssyncadd.s32 @!p0 s1  }
0x2ab: {  	[bflag:$0x3] =	sbarrier.arrive $0xFFFF  }
0x2ac: {  	_ =	shalt  }

</sc_bundles>
